<compile_context>
chip_gen: v7x
topology: tpu7x:2x2x1
jax: 0.10.2.dev20260603
libtpu: 0.0.44.dev20260713+nightly
codegen_flags: <defaults>
</compile_context>

<pallas_src>
import functools

import jax
import jax.numpy as jnp
from jax import lax
from jax.experimental import pallas as pl
from jax.experimental.pallas import tpu as pltpu
from jax.experimental.pallas import tpu_sc as plsc

N = 10000
D = 128
H = 128
E = 320000

NC = 2
NS = 16
L = 16
NW = NC * NS

CHUNK = 128
CPT = 80
EPT = CPT * CHUNK
E_PAD = NW * EPT
PAD = E_PAD - E

ACC_ROWS = 10240
RPT = ACC_ROWS // NS
DUMMY_SPREAD = ACC_ROWS - N
DEG_W = 16

_mesh = plsc.VectorSubcoreMesh(core_axis_name="c", subcore_axis_name="s")


@functools.partial(
    pl.kernel,
    mesh=_mesh,
    out_type=jax.ShapeDtypeStruct((NC, ACC_ROWS, DEG_W), jnp.float32),
    scratch_types=[
        pltpu.VMEM((CPT, CHUNK), jnp.int32),
        pltpu.VMEM((CHUNK,), jnp.int32),
        pltpu.VMEM((CHUNK, DEG_W), jnp.float32),
        pltpu.VMEM_SHARED((ACC_ROWS, DEG_W), jnp.float32),
    ],
)
def _deg_kernel(pidx_hbm, out_hbm, pidx_v, didx_v, ones_v, acc_sh):
    c = lax.axis_index("c")
    s = lax.axis_index("s")
    w = c * NS + s

    pltpu.sync_copy(pidx_hbm.at[w], pidx_v)

    @pl.loop(0, CHUNK)
    def _(r):
        ones_v[r, pl.ds(0, L)] = jnp.zeros((L,), jnp.float32)

    @pl.loop(0, RPT, step=CHUNK)
    def _(r0):
        pltpu.sync_copy(ones_v, acc_sh.at[pl.ds(s * RPT + r0, CHUNK)])

    @pl.loop(0, CHUNK)
    def _(r):
        ones_v[r, pl.ds(0, L)] = jnp.ones((L,), jnp.float32)

    plsc.subcore_barrier()

    @pl.loop(0, CPT)
    def _(i):
        @pl.loop(0, CHUNK, step=L)
        def _(k):
            packed = pidx_v[i, pl.ds(k, L)]
            didx_v[pl.ds(k, L)] = lax.shift_right_logical(packed, 16)

        pltpu.sync_copy(ones_v, acc_sh.at[didx_v], add=True)

    plsc.subcore_barrier()
    pltpu.sync_copy(
        acc_sh.at[pl.ds(s * RPT, RPT)], out_hbm.at[c, pl.ds(s * RPT, RPT)]
    )


@functools.partial(
    pl.kernel,
    mesh=_mesh,
    out_type=jax.ShapeDtypeStruct((NC, ACC_ROWS, H), jnp.float32),
    scratch_types=[
        pltpu.VMEM((CPT, CHUNK), jnp.int32),
        pltpu.VMEM((CHUNK,), jnp.int32),
        pltpu.VMEM((CHUNK,), jnp.int32),
        pltpu.VMEM((CHUNK,), jnp.int32),
        pltpu.VMEM((CHUNK,), jnp.int32),
        pltpu.VMEM((CHUNK, H), jnp.float32),
        pltpu.VMEM((CHUNK, H), jnp.float32),
        pltpu.VMEM_SHARED((ACC_ROWS, H), jnp.float32),
        pltpu.SemaphoreType.DMA,
        pltpu.SemaphoreType.DMA,
    ],
)
def _segsum_kernel(pidx_hbm, g_hbm, out_hbm, pidx_v, sidx0_v, sidx1_v,
                   didx0_v, didx1_v, rows0_v, rows1_v, acc_sh, sem0, sem1):
    c = lax.axis_index("c")
    s = lax.axis_index("s")
    w = c * NS + s
    sidx = (sidx0_v, sidx1_v)
    didx = (didx0_v, didx1_v)
    rows = (rows0_v, rows1_v)
    sems = (sem0, sem1)

    pltpu.sync_copy(pidx_hbm.at[w], pidx_v)

    def unpack(cch, b):
        @pl.loop(0, CHUNK, step=L)
        def _(k):
            packed = pidx_v[cch, pl.ds(k, L)]
            sidx[b][pl.ds(k, L)] = lax.bitwise_and(packed, 0xFFFF)
            didx[b][pl.ds(k, L)] = lax.shift_right_logical(packed, 16)

    @pl.loop(0, CHUNK)
    def _(r):
        @pl.loop(0, H, step=L)
        def _(c0):
            rows0_v[r, pl.ds(c0, L)] = jnp.zeros((L,), jnp.float32)

    @pl.loop(0, RPT, step=CHUNK)
    def _(r0):
        pltpu.sync_copy(rows0_v, acc_sh.at[pl.ds(s * RPT + r0, CHUNK)])

    plsc.subcore_barrier()

    unpack(0, 0)
    pltpu.async_copy(g_hbm.at[sidx[0]], rows0_v, sem0)

    @pl.loop(0, CPT, step=2)
    def _(i):
        for b in range(2):
            cch = i + b
            pltpu.make_async_copy(
                g_hbm.at[sidx[b]], rows[b], sems[b]).wait()
            @pl.when(cch + 1 < CPT)
            def _():
                unpack(cch + 1, 1 - b)
                pltpu.async_copy(
                    g_hbm.at[sidx[1 - b]], rows[1 - b], sems[1 - b])
            pltpu.sync_copy(rows[b], acc_sh.at[didx[b]], add=True)

    plsc.subcore_barrier()
    pltpu.sync_copy(
        acc_sh.at[pl.ds(s * RPT, RPT)], out_hbm.at[c, pl.ds(s * RPT, RPT)]
    )


def _prologue_body(degp_ref, x_ref, w0_ref, dis_ref, g0_ref):
    degp = degp_ref[...]
    deg = jnp.sum(degp[0, :N, :] + degp[1, :N, :], axis=1) + 1.0
    dis = lax.rsqrt(deg)[:, None]
    h = jnp.dot(x_ref[...], w0_ref[...], preferred_element_type=jnp.float32)
    dis_ref[...] = dis
    g0_ref[...] = h * dis


_prologue = pl.pallas_call(
    _prologue_body,
    out_shape=[
        jax.ShapeDtypeStruct((N, 1), jnp.float32),
        jax.ShapeDtypeStruct((N, H), jnp.float32),
    ],
)


def _mid_body(p_ref, g0_ref, dis_ref, b0_ref, w1_ref, g1_ref):
    S = p_ref[0, :N, :] + p_ref[1, :N, :] + g0_ref[...]
    dis = dis_ref[...]
    h1 = jnp.maximum(S * dis + b0_ref[...], 0.0)
    g1_ref[...] = (
        jnp.dot(h1, w1_ref[...], preferred_element_type=jnp.float32) * dis
    )


_mid = pl.pallas_call(
    _mid_body,
    out_shape=jax.ShapeDtypeStruct((N, H), jnp.float32),
)


def _final_body(p_ref, g1_ref, dis_ref, b1_ref, out_ref):
    S = p_ref[0, :N, :] + p_ref[1, :N, :] + g1_ref[...]
    out_ref[...] = S * dis_ref[...] + b1_ref[...]


_final = pl.pallas_call(
    _final_body,
    out_shape=jax.ShapeDtypeStruct((N, H), jnp.float32),
)


@jax.jit
def kernel(edge_index, x, W0, b0, W1, b1):
    ppt = PAD // NW
    pad_src = (jnp.arange(NW * ppt, dtype=jnp.int32) * 131) % N
    pad_dst = N + (jnp.arange(NW * ppt, dtype=jnp.int32) % DUMMY_SPREAD)
    src = jnp.concatenate(
        [edge_index[0].reshape(NW, E // NW), pad_src.reshape(NW, ppt)], axis=1)
    dst = jnp.concatenate(
        [edge_index[1].reshape(NW, E // NW), pad_dst.reshape(NW, ppt)], axis=1)
    pidx = (src | (dst << 16)).reshape(NW, CPT, CHUNK)

    degp = _deg_kernel(pidx)
    dis, g0 = _prologue(degp, x, W0)
    p0 = _segsum_kernel(pidx, g0)
    g1 = _mid(p0, g0, dis, b0.reshape(1, H), W1)
    p1 = _segsum_kernel(pidx, g1)
    out = _final(p1, g1, dis, b1.reshape(1, H))
    return out

# --- scband reference (transcript-rebuilt; emitter-appended) ---
"""Pipeline reference for scband-static-net-35476429865421 (READ-ONLY COPY).

The authoritative reference and input builder live on the scoring server;
editing this copy changes nothing except your own understanding.
"""

import jax, jax.numpy as jnp
import numpy as np

N = 10000
E = 320000
D = 128
H = 128  # 2 * nhid

def setup_inputs(seed: int = 0) -> dict:
    key = jax.random.key(seed)
    k1, k2, k3, k4 = jax.random.split(key, 4)
    x = jax.random.normal(k1, (N, D), dtype=jnp.float32)
    edge_index = jax.random.randint(k2, (2, E), 0, N, dtype=jnp.int32)
    W0 = jax.random.normal(k3, (D, H), dtype=jnp.float32) * 0.05
    b0 = jnp.zeros((H,), dtype=jnp.float32)
    W1 = jax.random.normal(k4, (H, H), dtype=jnp.float32) * 0.05
    b1 = jnp.zeros((H,), dtype=jnp.float32)
    return {"edge_index": edge_index, "x": x, "W0": W0, "b0": b0, "W1": W1, "b1": b1}

def _gcn_layer(x, src, dst, W, b, n_nodes):
    # PyG GCNConv semantics: self-loops already appended to src/dst.
    deg = jnp.zeros((n_nodes,), dtype=x.dtype).at[dst].add(1.0)
    deg_inv_sqrt = jnp.where(deg > 0, deg ** -0.5, 0.0)
    norm = deg_inv_sqrt[src] * deg_inv_sqrt[dst]
    h = x @ W
    msg = h[src] * norm[:, None]
    out = jax.ops.segment_sum(msg, dst, num_segments=n_nodes)
    return out + b

def reference(edge_index, x, W0, b0, W1, b1):
    n_nodes = x.shape[0]
    loop = jnp.arange(n_nodes, dtype=edge_index.dtype)
    src = jnp.concatenate([edge_index[0], loop])
    dst = jnp.concatenate([edge_index[1], loop])
    h = _gcn_layer(x, src, dst, W0, b0, n_nodes)
    h = jax.nn.relu(h)  # norm=0 -> identity, then ReLU between layers
    out = _gcn_layer(h, src, dst, W1, b1, n_nodes)
    return out

if __name__ == "__main__":
    import jax
    _d = setup_inputs()
    print(jax.jit(kernel)(*tuple(_d.values())))

</pallas_src>

<mosaic_0001>
#map = affine_map<(d0, d1) -> (0, 0, 0)>
module attributes {stable_mosaic.version = 14 : i64} {
  func.func @_deg_kernel(%arg0: i32, %arg1: i32, %arg2: memref<32x80x128xi32, #tpu.memory_space<hbm>>, %arg3: memref<2x10240x16xf32, #tpu.memory_space<hbm>>, %arg4: memref<80x128xi32, #tpu.memory_space<vmem>>, %arg5: memref<128xi32, #tpu.memory_space<vmem>>, %arg6: memref<128x16xf32, #tpu.memory_space<vmem>>, %arg7: memref<10240x16xf32, #tpu.memory_space<vmem_shared>>) attributes {dimension_semantics = [#tpu.dimension_semantics<core_parallel>, #tpu.dimension_semantics<subcore_parallel>], iteration_bounds = array<i64: 2, 16>, scalar_prefetch = 0 : i64, scratch_operands = 4 : i64, tpu.core_type = #tpu.core_type<sc_vector_subcore>, window_params = [{transform_indices = #map}, {transform_indices = #map}]} {
    %mul3A = arith.constant 16 : i32
    %mul3A_0 = arith.muli %arg0, %mul3A : i32
    %add3A = arith.addi %mul3A_0, %arg1 : i32
    "tpu.region"() ({
      %run_scoped3A = tpu.sem_alloc : memref<!tpu.dma_semaphore, #tpu.memory_space<semaphore_mem>>
      %dma_start3A = arith.constant 0 : i32
      %dma_start3A_25 = arith.constant 0 : i32
      %dma_start3A_26 = tpu.memref_slice %arg2[%add3A, %dma_start3A, %dma_start3A_25] : memref<32x80x128xi32, #tpu.memory_space<hbm>> -> memref<1x80x128xi32, #tpu.memory_space<hbm>>
      %dma_start3A_27 = tpu.memref_squeeze %dma_start3A_26 : memref<1x80x128xi32, #tpu.memory_space<hbm>> -> memref<80x128xi32, #tpu.memory_space<hbm>>
      %dma_start3A_28 = arith.constant 0 : i32
      %dma_start3A_29 = arith.constant 0 : i32
      %dma_start3A_30 = tpu.memref_slice %arg2[%add3A, %dma_start3A_28, %dma_start3A_29] : memref<32x80x128xi32, #tpu.memory_space<hbm>> -> memref<1x80x128xi32, #tpu.memory_space<hbm>>
      %dma_start3A_31 = tpu.memref_squeeze %dma_start3A_30 : memref<1x80x128xi32, #tpu.memory_space<hbm>> -> memref<80x128xi32, #tpu.memory_space<hbm>>
      tpu.enqueue_dma source(%dma_start3A_31 : memref<80x128xi32, #tpu.memory_space<hbm>>) target(%arg4 : memref<80x128xi32, #tpu.memory_space<vmem>>) target_semaphore(%run_scoped3A : memref<!tpu.dma_semaphore, #tpu.memory_space<semaphore_mem>>)
      %dma_wait3A = arith.constant 0 : i32
      %dma_wait3A_32 = arith.constant 0 : i32
      %dma_wait3A_33 = tpu.memref_slice %arg2[%add3A, %dma_wait3A, %dma_wait3A_32] : memref<32x80x128xi32, #tpu.memory_space<hbm>> -> memref<1x80x128xi32, #tpu.memory_space<hbm>>
      %dma_wait3A_34 = tpu.memref_squeeze %dma_wait3A_33 : memref<1x80x128xi32, #tpu.memory_space<hbm>> -> memref<80x128xi32, #tpu.memory_space<hbm>>
      %dma_wait3A_35 = arith.constant 0 : i32
      %dma_wait3A_36 = arith.constant 0 : i32
      %dma_wait3A_37 = tpu.memref_slice %arg2[%add3A, %dma_wait3A_35, %dma_wait3A_36] : memref<32x80x128xi32, #tpu.memory_space<hbm>> -> memref<1x80x128xi32, #tpu.memory_space<hbm>>
      %dma_wait3A_38 = tpu.memref_squeeze %dma_wait3A_37 : memref<1x80x128xi32, #tpu.memory_space<hbm>> -> memref<80x128xi32, #tpu.memory_space<hbm>>
      tpu.wait_dma2 semaphore(%run_scoped3A : memref<!tpu.dma_semaphore, #tpu.memory_space<semaphore_mem>>) src(%dma_wait3A_38 : memref<80x128xi32, #tpu.memory_space<hbm>>) dst(%arg4 : memref<80x128xi32, #tpu.memory_space<vmem>>)
      tpu.yield
    }) : () -> ()
    %scan3A = arith.constant 0 : i32
    %scan3A_1 = arith.constant 128 : i32
    %scan3A_2 = arith.addi %scan3A, %scan3A_1 : i32
    %scan3A_3 = arith.constant 1 : i32
    scf.for %scan3A_25 = %scan3A to %scan3A_2 step %scan3A_3  : i32 {
      %mul3A_26 = arith.constant 1 : i32
      %mul3A_27 = arith.muli %scan3A_25, %mul3A_26 : i32
      %add3A_28 = arith.constant 0 : i32
      %add3A_29 = arith.addi %add3A_28, %mul3A_27 : i32
      %broadcast_in_dim3A = arith.constant 0.000000e+00 : f32
      %broadcast_in_dim3A_30 = vector.broadcast %broadcast_in_dim3A : f32 to vector<16xf32>
      %swap3A = arith.index_cast %add3A_29 : i32 to index
      %swap3A_31 = arith.constant 0 : index
      %swap3A_32 = tpu.vector_load %arg6[%swap3A, %swap3A_31] {strides = array<i32>} : memref<128x16xf32, #tpu.memory_space<vmem>>, vector<1x16xf32>,
      %swap3A_33 = vector.shape_cast %swap3A_32 : vector<1x16xf32> to vector<16xf32>
      %swap3A_34 = vector.shape_cast %broadcast_in_dim3A_30 : vector<16xf32> to vector<1x16xf32>
      tpu.vector_store %arg6[%swap3A, %swap3A_31], %swap3A_34 {strides = array<i32>} : memref<128x16xf32, #tpu.memory_space<vmem>>, vector<1x16xf32>,
    }
    %scan3A_4 = arith.constant 128 : i32
    %scan3A_5 = arith.constant 0 : i32
    %scan3A_6 = arith.constant 5 : i32
    %scan3A_7 = arith.addi %scan3A_5, %scan3A_6 : i32
    %scan3A_8 = arith.constant 1 : i32
    scf.for %scan3A_25 = %scan3A_5 to %scan3A_7 step %scan3A_8  : i32 {
      %mul3A_26 = arith.constant 128 : i32
      %mul3A_27 = arith.muli %scan3A_25, %mul3A_26 : i32
      %add3A_28 = arith.constant 0 : i32
      %add3A_29 = arith.addi %add3A_28, %mul3A_27 : i32
      %mul3A_30 = arith.constant 640 : i32
      %mul3A_31 = arith.muli %arg1, %mul3A_30 : i32
      %add3A_32 = arith.addi %mul3A_31, %add3A_29 : i32
      "tpu.region"() ({
        %run_scoped3A = tpu.sem_alloc : memref<!tpu.dma_semaphore, #tpu.memory_space<semaphore_mem>>
        %dma_start3A = arith.constant 0 : i32
        %dma_start3A_33 = tpu.memref_slice %arg7[%add3A_32, %dma_start3A] : memref<10240x16xf32, #tpu.memory_space<vmem_shared>> -> memref<128x16xf32, #tpu.memory_space<vmem_shared>>
        %dma_start3A_34 = arith.constant 0 : i32
        %dma_start3A_35 = tpu.memref_slice %arg7[%add3A_32, %dma_start3A_34] : memref<10240x16xf32, #tpu.memory_space<vmem_shared>> -> memref<128x16xf32, #tpu.memory_space<vmem_shared>>
        tpu.enqueue_dma source(%arg6 : memref<128x16xf32, #tpu.memory_space<vmem>>) target(%dma_start3A_35 : memref<128x16xf32, #tpu.memory_space<vmem_shared>>) target_semaphore(%run_scoped3A : memref<!tpu.dma_semaphore, #tpu.memory_space<semaphore_mem>>)
        %dma_wait3A = arith.constant 0 : i32
        %dma_wait3A_36 = tpu.memref_slice %arg7[%add3A_32, %dma_wait3A] : memref<10240x16xf32, #tpu.memory_space<vmem_shared>> -> memref<128x16xf32, #tpu.memory_space<vmem_shared>>
        %dma_wait3A_37 = arith.constant 0 : i32
        %dma_wait3A_38 = tpu.memref_slice %arg7[%add3A_32, %dma_wait3A_37] : memref<10240x16xf32, #tpu.memory_space<vmem_shared>> -> memref<128x16xf32, #tpu.memory_space<vmem_shared>>
        tpu.wait_dma2 semaphore(%run_scoped3A : memref<!tpu.dma_semaphore, #tpu.memory_space<semaphore_mem>>) src(%arg6 : memref<128x16xf32, #tpu.memory_space<vmem>>) dst(%dma_wait3A_38 : memref<128x16xf32, #tpu.memory_space<vmem_shared>>)
        tpu.yield
      }) : () -> ()
    }
    %scan3A_9 = arith.constant 5 : i32
    %scan3A_10 = arith.constant 0 : i32
    %scan3A_11 = arith.constant 128 : i32
    %scan3A_12 = arith.addi %scan3A_10, %scan3A_11 : i32
    %scan3A_13 = arith.constant 1 : i32
    scf.for %scan3A_25 = %scan3A_10 to %scan3A_12 step %scan3A_13  : i32 {
      %mul3A_26 = arith.constant 1 : i32
      %mul3A_27 = arith.muli %scan3A_25, %mul3A_26 : i32
      %add3A_28 = arith.constant 0 : i32
      %add3A_29 = arith.addi %add3A_28, %mul3A_27 : i32
      %broadcast_in_dim3A = arith.constant 1.000000e+00 : f32
      %broadcast_in_dim3A_30 = vector.broadcast %broadcast_in_dim3A : f32 to vector<16xf32>
      %swap3A = arith.index_cast %add3A_29 : i32 to index
      %swap3A_31 = arith.constant 0 : index
      %swap3A_32 = tpu.vector_load %arg6[%swap3A, %swap3A_31] {strides = array<i32>} : memref<128x16xf32, #tpu.memory_space<vmem>>, vector<1x16xf32>,
      %swap3A_33 = vector.shape_cast %swap3A_32 : vector<1x16xf32> to vector<16xf32>
      %swap3A_34 = vector.shape_cast %broadcast_in_dim3A_30 : vector<16xf32> to vector<1x16xf32>
      tpu.vector_store %arg6[%swap3A, %swap3A_31], %swap3A_34 {strides = array<i32>} : memref<128x16xf32, #tpu.memory_space<vmem>>, vector<1x16xf32>,
    }
    %scan3A_14 = arith.constant 128 : i32
    %barrier3A = arith.constant 0 : index
    tpu.barrier barrier_id(%barrier3A)
    %scan3A_15 = arith.constant 0 : i32
    %scan3A_16 = arith.constant 80 : i32
    %scan3A_17 = arith.addi %scan3A_15, %scan3A_16 : i32
    %scan3A_18 = arith.constant 1 : i32
    scf.for %scan3A_25 = %scan3A_15 to %scan3A_17 step %scan3A_18  : i32 {
      %mul3A_26 = arith.constant 1 : i32
      %mul3A_27 = arith.muli %scan3A_25, %mul3A_26 : i32
      %add3A_28 = arith.constant 0 : i32
      %add3A_29 = arith.addi %add3A_28, %mul3A_27 : i32
      %scan3A_30 = arith.constant 0 : i32
      %scan3A_31 = arith.constant 8 : i32
      %scan3A_32 = arith.addi %scan3A_30, %scan3A_31 : i32
      %scan3A_33 = arith.constant 1 : i32
      scf.for %scan3A_35 = %scan3A_30 to %scan3A_32 step %scan3A_33  : i32 {
        %mul3A_36 = arith.constant 16 : i32
        %mul3A_37 = arith.muli %scan3A_35, %mul3A_36 : i32
        %add3A_38 = arith.constant 0 : i32
        %add3A_39 = arith.addi %add3A_38, %mul3A_37 : i32
        %get3A = arith.index_cast %add3A_29 : i32 to index
        %get3A_40 = arith.index_cast %add3A_39 : i32 to index
        %get3A_41 = tpu.vector_load %arg4[%get3A, %get3A_40] {strides = array<i32>} : memref<80x128xi32, #tpu.memory_space<vmem>>, vector<1x16xi32>,
        %get3A_42 = vector.shape_cast %get3A_41 : vector<1x16xi32> to vector<16xi32>
        %shift_right_logical3A = arith.constant 16 : i32
        %shift_right_logical3A_43 = vector.broadcast %shift_right_logical3A : i32 to vector<16xi32>
        %shift_right_logical3A_44 = arith.shrui %get3A_42, %shift_right_logical3A_43 : vector<16xi32>
        %swap3A = arith.index_cast %add3A_39 : i32 to index
        %swap3A_45 = tpu.vector_load %arg5[%swap3A] {strides = array<i32>} : memref<128xi32, #tpu.memory_space<vmem>>, vector<16xi32>,
        %swap3A_46 = vector.shape_cast %swap3A_45 : vector<16xi32> to vector<16xi32>
        %swap3A_47 = vector.shape_cast %shift_right_logical3A_44 : vector<16xi32> to vector<16xi32>
        tpu.vector_store %arg5[%swap3A], %swap3A_47 {strides = array<i32>} : memref<128xi32, #tpu.memory_space<vmem>>, vector<16xi32>,
      }
      %scan3A_34 = arith.constant 8 : i32
      "tpu.region"() ({
        %run_scoped3A = tpu.sem_alloc : memref<!tpu.dma_semaphore, #tpu.memory_space<semaphore_mem>>
        %dma_start3A = arith.constant 0 : i32
        %dma_start3A_35 = arith.constant 0 : i32
        %dma_start3A_36 = tpu.memref_slice %arg7[%dma_start3A, %dma_start3A_35] : memref<10240x16xf32, #tpu.memory_space<vmem_shared>> -> memref<10240x16xf32, #tpu.memory_space<vmem_shared>>
        tpu.enqueue_indirect_dma source(%arg6 : memref<128x16xf32, #tpu.memory_space<vmem>>) target(%dma_start3A_36 : memref<10240x16xf32, #tpu.memory_space<vmem_shared>>) offsets(%arg5 : memref<128xi32, #tpu.memory_space<vmem>>) semaphore(%run_scoped3A : memref<!tpu.dma_semaphore, #tpu.memory_space<semaphore_mem>>) {add = true}
        %dma_wait3A = arith.constant 0 : i32
        %dma_wait3A_37 = arith.constant 0 : i32
        %dma_wait3A_38 = tpu.memref_slice %arg7[%dma_wait3A, %dma_wait3A_37] : memref<10240x16xf32, #tpu.memory_space<vmem_shared>> -> memref<10240x16xf32, #tpu.memory_space<vmem_shared>>
        tpu.wait_indirect_dma semaphore(%run_scoped3A : memref<!tpu.dma_semaphore, #tpu.memory_space<semaphore_mem>>) src(%arg6 : memref<128x16xf32, #tpu.memory_space<vmem>>) dst(%dma_wait3A_38 : memref<10240x16xf32, #tpu.memory_space<vmem_shared>>)
        tpu.yield
      }) : () -> ()
    }
    %scan3A_19 = arith.constant 80 : i32
    %barrier3A_20 = arith.constant 0 : index
    tpu.barrier barrier_id(%barrier3A_20)
    %mul3A_21 = arith.constant 640 : i32
    %mul3A_22 = arith.muli %arg1, %mul3A_21 : i32
    %mul3A_23 = arith.constant 640 : i32
    %mul3A_24 = arith.muli %arg1, %mul3A_23 : i32
    "tpu.region"() ({
      %run_scoped3A = tpu.sem_alloc : memref<!tpu.dma_semaphore, #tpu.memory_space<semaphore_mem>>
      %dma_start3A = arith.constant 0 : i32
      %dma_start3A_25 = tpu.memref_slice %arg3[%arg0, %mul3A_24, %dma_start3A] : memref<2x10240x16xf32, #tpu.memory_space<hbm>> -> memref<1x640x16xf32, #tpu.memory_space<hbm>>
      %dma_start3A_26 = tpu.memref_squeeze %dma_start3A_25 : memref<1x640x16xf32, #tpu.memory_space<hbm>> -> memref<640x16xf32, #tpu.memory_space<hbm>>
      %dma_start3A_27 = arith.constant 0 : i32
      %dma_start3A_28 = tpu.memref_slice %arg7[%mul3A_22, %dma_start3A_27] : memref<10240x16xf32, #tpu.memory_space<vmem_shared>> -> memref<640x16xf32, #tpu.memory_space<vmem_shared>>
      tpu.enqueue_dma source(%dma_start3A_28 : memref<640x16xf32, #tpu.memory_space<vmem_shared>>) target(%dma_start3A_26 : memref<640x16xf32, #tpu.memory_space<hbm>>) target_semaphore(%run_scoped3A : memref<!tpu.dma_semaphore, #tpu.memory_space<semaphore_mem>>)
      %dma_wait3A = arith.constant 0 : i32
      %dma_wait3A_29 = tpu.memref_slice %arg3[%arg0, %mul3A_24, %dma_wait3A] : memref<2x10240x16xf32, #tpu.memory_space<hbm>> -> memref<1x640x16xf32, #tpu.memory_space<hbm>>
      %dma_wait3A_30 = tpu.memref_squeeze %dma_wait3A_29 : memref<1x640x16xf32, #tpu.memory_space<hbm>> -> memref<640x16xf32, #tpu.memory_space<hbm>>
      %dma_wait3A_31 = arith.constant 0 : i32
      %dma_wait3A_32 = tpu.memref_slice %arg7[%mul3A_22, %dma_wait3A_31] : memref<10240x16xf32, #tpu.memory_space<vmem_shared>> -> memref<640x16xf32, #tpu.memory_space<vmem_shared>>
      tpu.wait_dma2 semaphore(%run_scoped3A : memref<!tpu.dma_semaphore, #tpu.memory_space<semaphore_mem>>) src(%dma_wait3A_32 : memref<640x16xf32, #tpu.memory_space<vmem_shared>>) dst(%dma_wait3A_30 : memref<640x16xf32, #tpu.memory_space<hbm>>)
      tpu.yield
    }) : () -> ()
    return
  }
}

#map = affine_map<(d0, d1) -> (0, 0, 0)>
#map1 = affine_map<(d0, d1) -> (0, 0)>
module attributes {stable_mosaic.version = 14 : i64} {
  func.func @_segsum_kernel(%arg0: i32, %arg1: i32, %arg2: memref<32x80x128xi32, #tpu.memory_space<hbm>>, %arg3: memref<10000x128xf32, #tpu.memory_space<hbm>>, %arg4: memref<2x10240x128xf32, #tpu.memory_space<hbm>>, %arg5: memref<80x128xi32, #tpu.memory_space<vmem>>, %arg6: memref<128xi32, #tpu.memory_space<vmem>>, %arg7: memref<128xi32, #tpu.memory_space<vmem>>, %arg8: memref<128xi32, #tpu.memory_space<vmem>>, %arg9: memref<128xi32, #tpu.memory_space<vmem>>, %arg10: memref<128x128xf32, #tpu.memory_space<vmem>>, %arg11: memref<128x128xf32, #tpu.memory_space<vmem>>, %arg12: memref<10240x128xf32, #tpu.memory_space<vmem_shared>>, %arg13: memref<!tpu.dma_semaphore, #tpu.memory_space<semaphore_mem>>, %arg14: memref<!tpu.dma_semaphore, #tpu.memory_space<semaphore_mem>>) attributes {dimension_semantics = [#tpu.dimension_semantics<core_parallel>, #tpu.dimension_semantics<subcore_parallel>], iteration_bounds = array<i64: 2, 16>, scalar_prefetch = 0 : i64, scratch_operands = 10 : i64, tpu.core_type = #tpu.core_type<sc_vector_subcore>, window_params = [{transform_indices = #map}, {transform_indices = #map1}, {transform_indices = #map}]} {
    %mul3A = arith.constant 16 : i32
    %mul3A_0 = arith.muli %arg0, %mul3A : i32
    %add3A = arith.addi %mul3A_0, %arg1 : i32
    "tpu.region"() ({
      %run_scoped3A = tpu.sem_alloc : memref<!tpu.dma_semaphore, #tpu.memory_space<semaphore_mem>>
      %dma_start3A_27 = arith.constant 0 : i32
      %dma_start3A_28 = arith.constant 0 : i32
      %dma_start3A_29 = tpu.memref_slice %arg2[%add3A, %dma_start3A_27, %dma_start3A_28] : memref<32x80x128xi32, #tpu.memory_space<hbm>> -> memref<1x80x128xi32, #tpu.memory_space<hbm>>
      %dma_start3A_30 = tpu.memref_squeeze %dma_start3A_29 : memref<1x80x128xi32, #tpu.memory_space<hbm>> -> memref<80x128xi32, #tpu.memory_space<hbm>>
      %dma_start3A_31 = arith.constant 0 : i32
      %dma_start3A_32 = arith.constant 0 : i32
      %dma_start3A_33 = tpu.memref_slice %arg2[%add3A, %dma_start3A_31, %dma_start3A_32] : memref<32x80x128xi32, #tpu.memory_space<hbm>> -> memref<1x80x128xi32, #tpu.memory_space<hbm>>
      %dma_start3A_34 = tpu.memref_squeeze %dma_start3A_33 : memref<1x80x128xi32, #tpu.memory_space<hbm>> -> memref<80x128xi32, #tpu.memory_space<hbm>>
      tpu.enqueue_dma source(%dma_start3A_34 : memref<80x128xi32, #tpu.memory_space<hbm>>) target(%arg5 : memref<80x128xi32, #tpu.memory_space<vmem>>) target_semaphore(%run_scoped3A : memref<!tpu.dma_semaphore, #tpu.memory_space<semaphore_mem>>)
      %dma_wait3A = arith.constant 0 : i32
      %dma_wait3A_35 = arith.constant 0 : i32
      %dma_wait3A_36 = tpu.memref_slice %arg2[%add3A, %dma_wait3A, %dma_wait3A_35] : memref<32x80x128xi32, #tpu.memory_space<hbm>> -> memref<1x80x128xi32, #tpu.memory_space<hbm>>
      %dma_wait3A_37 = tpu.memref_squeeze %dma_wait3A_36 : memref<1x80x128xi32, #tpu.memory_space<hbm>> -> memref<80x128xi32, #tpu.memory_space<hbm>>
      %dma_wait3A_38 = arith.constant 0 : i32
      %dma_wait3A_39 = arith.constant 0 : i32
      %dma_wait3A_40 = tpu.memref_slice %arg2[%add3A, %dma_wait3A_38, %dma_wait3A_39] : memref<32x80x128xi32, #tpu.memory_space<hbm>> -> memref<1x80x128xi32, #tpu.memory_space<hbm>>
      %dma_wait3A_41 = tpu.memref_squeeze %dma_wait3A_40 : memref<1x80x128xi32, #tpu.memory_space<hbm>> -> memref<80x128xi32, #tpu.memory_space<hbm>>
      tpu.wait_dma2 semaphore(%run_scoped3A : memref<!tpu.dma_semaphore, #tpu.memory_space<semaphore_mem>>) src(%dma_wait3A_41 : memref<80x128xi32, #tpu.memory_space<hbm>>) dst(%arg5 : memref<80x128xi32, #tpu.memory_space<vmem>>)
      tpu.yield
    }) : () -> ()
    %scan3A = arith.constant 0 : i32
    %scan3A_1 = arith.constant 128 : i32
    %scan3A_2 = arith.addi %scan3A, %scan3A_1 : i32
    %scan3A_3 = arith.constant 1 : i32
    scf.for %scan3A_27 = %scan3A to %scan3A_2 step %scan3A_3  : i32 {
      %mul3A_28 = arith.constant 1 : i32
      %mul3A_29 = arith.muli %scan3A_27, %mul3A_28 : i32
      %add3A_30 = arith.constant 0 : i32
      %add3A_31 = arith.addi %add3A_30, %mul3A_29 : i32
      %scan3A_32 = arith.constant 0 : i32
      %scan3A_33 = arith.constant 8 : i32
      %scan3A_34 = arith.addi %scan3A_32, %scan3A_33 : i32
      %scan3A_35 = arith.constant 1 : i32
      scf.for %scan3A_37 = %scan3A_32 to %scan3A_34 step %scan3A_35  : i32 {
        %mul3A_38 = arith.constant 16 : i32
        %mul3A_39 = arith.muli %scan3A_37, %mul3A_38 : i32
        %add3A_40 = arith.constant 0 : i32
        %add3A_41 = arith.addi %add3A_40, %mul3A_39 : i32
        %broadcast_in_dim3A = arith.constant 0.000000e+00 : f32
        %broadcast_in_dim3A_42 = vector.broadcast %broadcast_in_dim3A : f32 to vector<16xf32>
        %swap3A = arith.index_cast %add3A_31 : i32 to index
        %swap3A_43 = arith.index_cast %add3A_41 : i32 to index
        %swap3A_44 = tpu.vector_load %arg10[%swap3A, %swap3A_43] {strides = array<i32>} : memref<128x128xf32, #tpu.memory_space<vmem>>, vector<1x16xf32>,
        %swap3A_45 = vector.shape_cast %swap3A_44 : vector<1x16xf32> to vector<16xf32>
        %swap3A_46 = vector.shape_cast %broadcast_in_dim3A_42 : vector<16xf32> to vector<1x16xf32>
        tpu.vector_store %arg10[%swap3A, %swap3A_43], %swap3A_46 {strides = array<i32>} : memref<128x128xf32, #tpu.memory_space<vmem>>, vector<1x16xf32>,
      }
      %scan3A_36 = arith.constant 8 : i32
    }
    %scan3A_4 = arith.constant 128 : i32
    %scan3A_5 = arith.constant 0 : i32
    %scan3A_6 = arith.constant 5 : i32
    %scan3A_7 = arith.addi %scan3A_5, %scan3A_6 : i32
    %scan3A_8 = arith.constant 1 : i32
    scf.for %scan3A_27 = %scan3A_5 to %scan3A_7 step %scan3A_8  : i32 {
      %mul3A_28 = arith.constant 128 : i32
      %mul3A_29 = arith.muli %scan3A_27, %mul3A_28 : i32
      %add3A_30 = arith.constant 0 : i32
      %add3A_31 = arith.addi %add3A_30, %mul3A_29 : i32
      %mul3A_32 = arith.constant 640 : i32
      %mul3A_33 = arith.muli %arg1, %mul3A_32 : i32
      %add3A_34 = arith.addi %mul3A_33, %add3A_31 : i32
      "tpu.region"() ({
        %run_scoped3A = tpu.sem_alloc : memref<!tpu.dma_semaphore, #tpu.memory_space<semaphore_mem>>
        %dma_start3A_35 = arith.constant 0 : i32
        %dma_start3A_36 = tpu.memref_slice %arg12[%add3A_34, %dma_start3A_35] : memref<10240x128xf32, #tpu.memory_space<vmem_shared>> -> memref<128x128xf32, #tpu.memory_space<vmem_shared>>
        %dma_start3A_37 = arith.constant 0 : i32
        %dma_start3A_38 = tpu.memref_slice %arg12[%add3A_34, %dma_start3A_37] : memref<10240x128xf32, #tpu.memory_space<vmem_shared>> -> memref<128x128xf32, #tpu.memory_space<vmem_shared>>
        tpu.enqueue_dma source(%arg10 : memref<128x128xf32, #tpu.memory_space<vmem>>) target(%dma_start3A_38 : memref<128x128xf32, #tpu.memory_space<vmem_shared>>) target_semaphore(%run_scoped3A : memref<!tpu.dma_semaphore, #tpu.memory_space<semaphore_mem>>)
        %dma_wait3A = arith.constant 0 : i32
        %dma_wait3A_39 = tpu.memref_slice %arg12[%add3A_34, %dma_wait3A] : memref<10240x128xf32, #tpu.memory_space<vmem_shared>> -> memref<128x128xf32, #tpu.memory_space<vmem_shared>>
        %dma_wait3A_40 = arith.constant 0 : i32
        %dma_wait3A_41 = tpu.memref_slice %arg12[%add3A_34, %dma_wait3A_40] : memref<10240x128xf32, #tpu.memory_space<vmem_shared>> -> memref<128x128xf32, #tpu.memory_space<vmem_shared>>
        tpu.wait_dma2 semaphore(%run_scoped3A : memref<!tpu.dma_semaphore, #tpu.memory_space<semaphore_mem>>) src(%arg10 : memref<128x128xf32, #tpu.memory_space<vmem>>) dst(%dma_wait3A_41 : memref<128x128xf32, #tpu.memory_space<vmem_shared>>)
        tpu.yield
      }) : () -> ()
    }
    %scan3A_9 = arith.constant 5 : i32
    %barrier3A = arith.constant 0 : index
    tpu.barrier barrier_id(%barrier3A)
    %scan3A_10 = arith.constant 0 : i32
    %scan3A_11 = arith.constant 8 : i32
    %scan3A_12 = arith.addi %scan3A_10, %scan3A_11 : i32
    %scan3A_13 = arith.constant 1 : i32
    scf.for %scan3A_27 = %scan3A_10 to %scan3A_12 step %scan3A_13  : i32 {
      %mul3A_28 = arith.constant 16 : i32
      %mul3A_29 = arith.muli %scan3A_27, %mul3A_28 : i32
      %add3A_30 = arith.constant 0 : i32
      %add3A_31 = arith.addi %add3A_30, %mul3A_29 : i32
      %get3A = arith.constant 0 : i32
      %get3A_32 = arith.index_cast %get3A : i32 to index
      %get3A_33 = arith.index_cast %add3A_31 : i32 to index
      %get3A_34 = tpu.vector_load %arg5[%get3A_32, %get3A_33] {strides = array<i32>} : memref<80x128xi32, #tpu.memory_space<vmem>>, vector<1x16xi32>,
      %get3A_35 = vector.shape_cast %get3A_34 : vector<1x16xi32> to vector<16xi32>
      %and3A = arith.constant 65535 : i32
      %and3A_36 = vector.broadcast %and3A : i32 to vector<16xi32>
      %and3A_37 = arith.andi %get3A_35, %and3A_36 : vector<16xi32>
      %swap3A = arith.index_cast %add3A_31 : i32 to index
      %swap3A_38 = tpu.vector_load %arg6[%swap3A] {strides = array<i32>} : memref<128xi32, #tpu.memory_space<vmem>>, vector<16xi32>,
      %swap3A_39 = vector.shape_cast %swap3A_38 : vector<16xi32> to vector<16xi32>
      %swap3A_40 = vector.shape_cast %and3A_37 : vector<16xi32> to vector<16xi32>
      tpu.vector_store %arg6[%swap3A], %swap3A_40 {strides = array<i32>} : memref<128xi32, #tpu.memory_space<vmem>>, vector<16xi32>,
      %shift_right_logical3A = arith.constant 16 : i32
      %shift_right_logical3A_41 = vector.broadcast %shift_right_logical3A : i32 to vector<16xi32>
      %shift_right_logical3A_42 = arith.shrui %get3A_35, %shift_right_logical3A_41 : vector<16xi32>
      %swap3A_43 = arith.index_cast %add3A_31 : i32 to index
      %swap3A_44 = tpu.vector_load %arg8[%swap3A_43] {strides = array<i32>} : memref<128xi32, #tpu.memory_space<vmem>>, vector<16xi32>,
      %swap3A_45 = vector.shape_cast %swap3A_44 : vector<16xi32> to vector<16xi32>
      %swap3A_46 = vector.shape_cast %shift_right_logical3A_42 : vector<16xi32> to vector<16xi32>
      tpu.vector_store %arg8[%swap3A_43], %swap3A_46 {strides = array<i32>} : memref<128xi32, #tpu.memory_space<vmem>>, vector<16xi32>,
    }
    %scan3A_14 = arith.constant 8 : i32
    %dma_start3A = arith.constant 0 : i32
    %dma_start3A_15 = arith.constant 0 : i32
    %dma_start3A_16 = tpu.memref_slice %arg3[%dma_start3A, %dma_start3A_15] : memref<10000x128xf32, #tpu.memory_space<hbm>> -> memref<10000x128xf32, #tpu.memory_space<hbm>>
    tpu.enqueue_indirect_dma source(%dma_start3A_16 : memref<10000x128xf32, #tpu.memory_space<hbm>>) target(%arg10 : memref<128x128xf32, #tpu.memory_space<vmem>>) offsets(%arg6 : memref<128xi32, #tpu.memory_space<vmem>>) semaphore(%arg13 : memref<!tpu.dma_semaphore, #tpu.memory_space<semaphore_mem>>)
    %scan3A_17 = arith.constant 0 : i32
    %scan3A_18 = arith.constant 40 : i32
    %scan3A_19 = arith.addi %scan3A_17, %scan3A_18 : i32
    %scan3A_20 = arith.constant 1 : i32
    scf.for %scan3A_27 = %scan3A_17 to %scan3A_19 step %scan3A_20  : i32 {
      %mul3A_28 = arith.constant 2 : i32
      %mul3A_29 = arith.muli %scan3A_27, %mul3A_28 : i32
      %add3A_30 = arith.constant 0 : i32
      %add3A_31 = arith.addi %add3A_30, %mul3A_29 : i32
      %add3A_32 = arith.constant 0 : i32
      %add3A_33 = arith.addi %add3A_31, %add3A_32 : i32
      %dma_wait3A = arith.constant 0 : i32
      %dma_wait3A_34 = arith.constant 0 : i32
      %dma_wait3A_35 = tpu.memref_slice %arg3[%dma_wait3A, %dma_wait3A_34] : memref<10000x128xf32, #tpu.memory_space<hbm>> -> memref<10000x128xf32, #tpu.memory_space<hbm>>
      tpu.wait_indirect_dma semaphore(%arg13 : memref<!tpu.dma_semaphore, #tpu.memory_space<semaphore_mem>>) src(%dma_wait3A_35 : memref<10000x128xf32, #tpu.memory_space<hbm>>) dst(%arg10 : memref<128x128xf32, #tpu.memory_space<vmem>>)
      %add3A_36 = arith.constant 1 : i32
      %add3A_37 = arith.addi %add3A_33, %add3A_36 : i32
      %lt3A = arith.constant 80 : i32
      %lt3A_38 = arith.cmpi slt, %add3A_37, %lt3A : i32
      %convert_element_type3A = arith.extui %lt3A_38 : i1 to i32
      %cond3A = arith.constant 0 : i32
      %cond3A_39 = arith.cmpi ne, %convert_element_type3A, %cond3A : i32
      scf.if %cond3A_39 {
        %add3A_52 = arith.constant 1 : i32
        %add3A_53 = arith.addi %add3A_33, %add3A_52 : i32
        %scan3A_54 = arith.constant 0 : i32
        %scan3A_55 = arith.constant 8 : i32
        %scan3A_56 = arith.addi %scan3A_54, %scan3A_55 : i32
        %scan3A_57 = arith.constant 1 : i32
        scf.for %scan3A_62 = %scan3A_54 to %scan3A_56 step %scan3A_57  : i32 {
          %mul3A_63 = arith.constant 16 : i32
          %mul3A_64 = arith.muli %scan3A_62, %mul3A_63 : i32
          %add3A_65 = arith.constant 0 : i32
          %add3A_66 = arith.addi %add3A_65, %mul3A_64 : i32
          %get3A = arith.index_cast %add3A_53 : i32 to index
          %get3A_67 = arith.index_cast %add3A_66 : i32 to index
          %get3A_68 = tpu.vector_load %arg5[%get3A, %get3A_67] {strides = array<i32>} : memref<80x128xi32, #tpu.memory_space<vmem>>, vector<1x16xi32>,
          %get3A_69 = vector.shape_cast %get3A_68 : vector<1x16xi32> to vector<16xi32>
          %and3A = arith.constant 65535 : i32
          %and3A_70 = vector.broadcast %and3A : i32 to vector<16xi32>
          %and3A_71 = arith.andi %get3A_69, %and3A_70 : vector<16xi32>
          %swap3A = arith.index_cast %add3A_66 : i32 to index
          %swap3A_72 = tpu.vector_load %arg7[%swap3A] {strides = array<i32>} : memref<128xi32, #tpu.memory_space<vmem>>, vector<16xi32>,
          %swap3A_73 = vector.shape_cast %swap3A_72 : vector<16xi32> to vector<16xi32>
          %swap3A_74 = vector.shape_cast %and3A_71 : vector<16xi32> to vector<16xi32>
          tpu.vector_store %arg7[%swap3A], %swap3A_74 {strides = array<i32>} : memref<128xi32, #tpu.memory_space<vmem>>, vector<16xi32>,
          %shift_right_logical3A = arith.constant 16 : i32
          %shift_right_logical3A_75 = vector.broadcast %shift_right_logical3A : i32 to vector<16xi32>
          %shift_right_logical3A_76 = arith.shrui %get3A_69, %shift_right_logical3A_75 : vector<16xi32>
          %swap3A_77 = arith.index_cast %add3A_66 : i32 to index
          %swap3A_78 = tpu.vector_load %arg9[%swap3A_77] {strides = array<i32>} : memref<128xi32, #tpu.memory_space<vmem>>, vector<16xi32>,
          %swap3A_79 = vector.shape_cast %swap3A_78 : vector<16xi32> to vector<16xi32>
          %swap3A_80 = vector.shape_cast %shift_right_logical3A_76 : vector<16xi32> to vector<16xi32>
          tpu.vector_store %arg9[%swap3A_77], %swap3A_80 {strides = array<i32>} : memref<128xi32, #tpu.memory_space<vmem>>, vector<16xi32>,
        }
        %scan3A_58 = arith.constant 8 : i32
        %dma_start3A_59 = arith.constant 0 : i32
        %dma_start3A_60 = arith.constant 0 : i32
        %dma_start3A_61 = tpu.memref_slice %arg3[%dma_start3A_59, %dma_start3A_60] : memref<10000x128xf32, #tpu.memory_space<hbm>> -> memref<10000x128xf32, #tpu.memory_space<hbm>>
        tpu.enqueue_indirect_dma source(%dma_start3A_61 : memref<10000x128xf32, #tpu.memory_space<hbm>>) target(%arg11 : memref<128x128xf32, #tpu.memory_space<vmem>>) offsets(%arg7 : memref<128xi32, #tpu.memory_space<vmem>>) semaphore(%arg14 : memref<!tpu.dma_semaphore, #tpu.memory_space<semaphore_mem>>)
      } else {
      }
      "tpu.region"() ({
        %run_scoped3A = tpu.sem_alloc : memref<!tpu.dma_semaphore, #tpu.memory_space<semaphore_mem>>
        %dma_start3A_52 = arith.constant 0 : i32
        %dma_start3A_53 = arith.constant 0 : i32
        %dma_start3A_54 = tpu.memref_slice %arg12[%dma_start3A_52, %dma_start3A_53] : memref<10240x128xf32, #tpu.memory_space<vmem_shared>> -> memref<10240x128xf32, #tpu.memory_space<vmem_shared>>
        tpu.enqueue_indirect_dma source(%arg10 : memref<128x128xf32, #tpu.memory_space<vmem>>) target(%dma_start3A_54 : memref<10240x128xf32, #tpu.memory_space<vmem_shared>>) offsets(%arg8 : memref<128xi32, #tpu.memory_space<vmem>>) semaphore(%run_scoped3A : memref<!tpu.dma_semaphore, #tpu.memory_space<semaphore_mem>>) {add = true}
        %dma_wait3A_55 = arith.constant 0 : i32
        %dma_wait3A_56 = arith.constant 0 : i32
        %dma_wait3A_57 = tpu.memref_slice %arg12[%dma_wait3A_55, %dma_wait3A_56] : memref<10240x128xf32, #tpu.memory_space<vmem_shared>> -> memref<10240x128xf32, #tpu.memory_space<vmem_shared>>
        tpu.wait_indirect_dma semaphore(%run_scoped3A : memref<!tpu.dma_semaphore, #tpu.memory_space<semaphore_mem>>) src(%arg10 : memref<128x128xf32, #tpu.memory_space<vmem>>) dst(%dma_wait3A_57 : memref<10240x128xf32, #tpu.memory_space<vmem_shared>>)
        tpu.yield
      }) : () -> ()
      %add3A_40 = arith.constant 1 : i32
      %add3A_41 = arith.addi %add3A_31, %add3A_40 : i32
      %dma_wait3A_42 = arith.constant 0 : i32
      %dma_wait3A_43 = arith.constant 0 : i32
      %dma_wait3A_44 = tpu.memref_slice %arg3[%dma_wait3A_42, %dma_wait3A_43] : memref<10000x128xf32, #tpu.memory_space<hbm>> -> memref<10000x128xf32, #tpu.memory_space<hbm>>
      tpu.wait_indirect_dma semaphore(%arg14 : memref<!tpu.dma_semaphore, #tpu.memory_space<semaphore_mem>>) src(%dma_wait3A_44 : memref<10000x128xf32, #tpu.memory_space<hbm>>) dst(%arg11 : memref<128x128xf32, #tpu.memory_space<vmem>>)
      %add3A_45 = arith.constant 1 : i32
      %add3A_46 = arith.addi %add3A_41, %add3A_45 : i32
      %lt3A_47 = arith.constant 80 : i32
      %lt3A_48 = arith.cmpi slt, %add3A_46, %lt3A_47 : i32
      %convert_element_type3A_49 = arith.extui %lt3A_48 : i1 to i32
      %cond3A_50 = arith.constant 0 : i32
      %cond3A_51 = arith.cmpi ne, %convert_element_type3A_49, %cond3A_50 : i32
      scf.if %cond3A_51 {
        %add3A_52 = arith.constant 1 : i32
        %add3A_53 = arith.addi %add3A_41, %add3A_52 : i32
        %scan3A_54 = arith.constant 0 : i32
        %scan3A_55 = arith.constant 8 : i32
        %scan3A_56 = arith.addi %scan3A_54, %scan3A_55 : i32
        %scan3A_57 = arith.constant 1 : i32
        scf.for %scan3A_62 = %scan3A_54 to %scan3A_56 step %scan3A_57  : i32 {
          %mul3A_63 = arith.constant 16 : i32
          %mul3A_64 = arith.muli %scan3A_62, %mul3A_63 : i32
          %add3A_65 = arith.constant 0 : i32
          %add3A_66 = arith.addi %add3A_65, %mul3A_64 : i32
          %get3A = arith.index_cast %add3A_53 : i32 to index
          %get3A_67 = arith.index_cast %add3A_66 : i32 to index
          %get3A_68 = tpu.vector_load %arg5[%get3A, %get3A_67] {strides = array<i32>} : memref<80x128xi32, #tpu.memory_space<vmem>>, vector<1x16xi32>,
          %get3A_69 = vector.shape_cast %get3A_68 : vector<1x16xi32> to vector<16xi32>
          %and3A = arith.constant 65535 : i32
          %and3A_70 = vector.broadcast %and3A : i32 to vector<16xi32>
          %and3A_71 = arith.andi %get3A_69, %and3A_70 : vector<16xi32>
          %swap3A = arith.index_cast %add3A_66 : i32 to index
          %swap3A_72 = tpu.vector_load %arg6[%swap3A] {strides = array<i32>} : memref<128xi32, #tpu.memory_space<vmem>>, vector<16xi32>,
          %swap3A_73 = vector.shape_cast %swap3A_72 : vector<16xi32> to vector<16xi32>
          %swap3A_74 = vector.shape_cast %and3A_71 : vector<16xi32> to vector<16xi32>
          tpu.vector_store %arg6[%swap3A], %swap3A_74 {strides = array<i32>} : memref<128xi32, #tpu.memory_space<vmem>>, vector<16xi32>,
          %shift_right_logical3A = arith.constant 16 : i32
          %shift_right_logical3A_75 = vector.broadcast %shift_right_logical3A : i32 to vector<16xi32>
          %shift_right_logical3A_76 = arith.shrui %get3A_69, %shift_right_logical3A_75 : vector<16xi32>
          %swap3A_77 = arith.index_cast %add3A_66 : i32 to index
          %swap3A_78 = tpu.vector_load %arg8[%swap3A_77] {strides = array<i32>} : memref<128xi32, #tpu.memory_space<vmem>>, vector<16xi32>,
          %swap3A_79 = vector.shape_cast %swap3A_78 : vector<16xi32> to vector<16xi32>
          %swap3A_80 = vector.shape_cast %shift_right_logical3A_76 : vector<16xi32> to vector<16xi32>
          tpu.vector_store %arg8[%swap3A_77], %swap3A_80 {strides = array<i32>} : memref<128xi32, #tpu.memory_space<vmem>>, vector<16xi32>,
        }
        %scan3A_58 = arith.constant 8 : i32
        %dma_start3A_59 = arith.constant 0 : i32
        %dma_start3A_60 = arith.constant 0 : i32
        %dma_start3A_61 = tpu.memref_slice %arg3[%dma_start3A_59, %dma_start3A_60] : memref<10000x128xf32, #tpu.memory_space<hbm>> -> memref<10000x128xf32, #tpu.memory_space<hbm>>
        tpu.enqueue_indirect_dma source(%dma_start3A_61 : memref<10000x128xf32, #tpu.memory_space<hbm>>) target(%arg10 : memref<128x128xf32, #tpu.memory_space<vmem>>) offsets(%arg6 : memref<128xi32, #tpu.memory_space<vmem>>) semaphore(%arg13 : memref<!tpu.dma_semaphore, #tpu.memory_space<semaphore_mem>>)
      } else {
      }
      "tpu.region"() ({
        %run_scoped3A = tpu.sem_alloc : memref<!tpu.dma_semaphore, #tpu.memory_space<semaphore_mem>>
        %dma_start3A_52 = arith.constant 0 : i32
        %dma_start3A_53 = arith.constant 0 : i32
        %dma_start3A_54 = tpu.memref_slice %arg12[%dma_start3A_52, %dma_start3A_53] : memref<10240x128xf32, #tpu.memory_space<vmem_shared>> -> memref<10240x128xf32, #tpu.memory_space<vmem_shared>>
        tpu.enqueue_indirect_dma source(%arg11 : memref<128x128xf32, #tpu.memory_space<vmem>>) target(%dma_start3A_54 : memref<10240x128xf32, #tpu.memory_space<vmem_shared>>) offsets(%arg9 : memref<128xi32, #tpu.memory_space<vmem>>) semaphore(%run_scoped3A : memref<!tpu.dma_semaphore, #tpu.memory_space<semaphore_mem>>) {add = true}
        %dma_wait3A_55 = arith.constant 0 : i32
        %dma_wait3A_56 = arith.constant 0 : i32
        %dma_wait3A_57 = tpu.memref_slice %arg12[%dma_wait3A_55, %dma_wait3A_56] : memref<10240x128xf32, #tpu.memory_space<vmem_shared>> -> memref<10240x128xf32, #tpu.memory_space<vmem_shared>>
        tpu.wait_indirect_dma semaphore(%run_scoped3A : memref<!tpu.dma_semaphore, #tpu.memory_space<semaphore_mem>>) src(%arg11 : memref<128x128xf32, #tpu.memory_space<vmem>>) dst(%dma_wait3A_57 : memref<10240x128xf32, #tpu.memory_space<vmem_shared>>)
        tpu.yield
      }) : () -> ()
    }
    %scan3A_21 = arith.constant 40 : i32
    %barrier3A_22 = arith.constant 0 : index
    tpu.barrier barrier_id(%barrier3A_22)
    %mul3A_23 = arith.constant 640 : i32
    %mul3A_24 = arith.muli %arg1, %mul3A_23 : i32
    %mul3A_25 = arith.constant 640 : i32
    %mul3A_26 = arith.muli %arg1, %mul3A_25 : i32
    "tpu.region"() ({
      %run_scoped3A = tpu.sem_alloc : memref<!tpu.dma_semaphore, #tpu.memory_space<semaphore_mem>>
      %dma_start3A_27 = arith.constant 0 : i32
      %dma_start3A_28 = tpu.memref_slice %arg4[%arg0, %mul3A_26, %dma_start3A_27] : memref<2x10240x128xf32, #tpu.memory_space<hbm>> -> memref<1x640x128xf32, #tpu.memory_space<hbm>>
      %dma_start3A_29 = tpu.memref_squeeze %dma_start3A_28 : memref<1x640x128xf32, #tpu.memory_space<hbm>> -> memref<640x128xf32, #tpu.memory_space<hbm>>
      %dma_start3A_30 = arith.constant 0 : i32
      %dma_start3A_31 = tpu.memref_slice %arg12[%mul3A_24, %dma_start3A_30] : memref<10240x128xf32, #tpu.memory_space<vmem_shared>> -> memref<640x128xf32, #tpu.memory_space<vmem_shared>>
      tpu.enqueue_dma source(%dma_start3A_31 : memref<640x128xf32, #tpu.memory_space<vmem_shared>>) target(%dma_start3A_29 : memref<640x128xf32, #tpu.memory_space<hbm>>) target_semaphore(%run_scoped3A : memref<!tpu.dma_semaphore, #tpu.memory_space<semaphore_mem>>)
      %dma_wait3A = arith.constant 0 : i32
      %dma_wait3A_32 = tpu.memref_slice %arg4[%arg0, %mul3A_26, %dma_wait3A] : memref<2x10240x128xf32, #tpu.memory_space<hbm>> -> memref<1x640x128xf32, #tpu.memory_space<hbm>>
      %dma_wait3A_33 = tpu.memref_squeeze %dma_wait3A_32 : memref<1x640x128xf32, #tpu.memory_space<hbm>> -> memref<640x128xf32, #tpu.memory_space<hbm>>
      %dma_wait3A_34 = arith.constant 0 : i32
      %dma_wait3A_35 = tpu.memref_slice %arg12[%mul3A_24, %dma_wait3A_34] : memref<10240x128xf32, #tpu.memory_space<vmem_shared>> -> memref<640x128xf32, #tpu.memory_space<vmem_shared>>
      tpu.wait_dma2 semaphore(%run_scoped3A : memref<!tpu.dma_semaphore, #tpu.memory_space<semaphore_mem>>) src(%dma_wait3A_35 : memref<640x128xf32, #tpu.memory_space<vmem_shared>>) dst(%dma_wait3A_33 : memref<640x128xf32, #tpu.memory_space<hbm>>)
      tpu.yield
    }) : () -> ()
    return
  }
}

#map = affine_map<(d0, d1) -> (0, 0, 0)>
#map1 = affine_map<(d0, d1) -> (0, 0)>
module attributes {stable_mosaic.version = 14 : i64} {
  func.func @_segsum_kernel(%arg0: i32, %arg1: i32, %arg2: memref<32x80x128xi32, #tpu.memory_space<hbm>>, %arg3: memref<10000x128xf32, #tpu.memory_space<hbm>>, %arg4: memref<2x10240x128xf32, #tpu.memory_space<hbm>>, %arg5: memref<80x128xi32, #tpu.memory_space<vmem>>, %arg6: memref<128xi32, #tpu.memory_space<vmem>>, %arg7: memref<128xi32, #tpu.memory_space<vmem>>, %arg8: memref<128xi32, #tpu.memory_space<vmem>>, %arg9: memref<128xi32, #tpu.memory_space<vmem>>, %arg10: memref<128x128xf32, #tpu.memory_space<vmem>>, %arg11: memref<128x128xf32, #tpu.memory_space<vmem>>, %arg12: memref<10240x128xf32, #tpu.memory_space<vmem_shared>>, %arg13: memref<!tpu.dma_semaphore, #tpu.memory_space<semaphore_mem>>, %arg14: memref<!tpu.dma_semaphore, #tpu.memory_space<semaphore_mem>>) attributes {dimension_semantics = [#tpu.dimension_semantics<core_parallel>, #tpu.dimension_semantics<subcore_parallel>], iteration_bounds = array<i64: 2, 16>, scalar_prefetch = 0 : i64, scratch_operands = 10 : i64, tpu.core_type = #tpu.core_type<sc_vector_subcore>, window_params = [{transform_indices = #map}, {transform_indices = #map1}, {transform_indices = #map}]} {
    %mul3A = arith.constant 16 : i32
    %mul3A_0 = arith.muli %arg0, %mul3A : i32
    %add3A = arith.addi %mul3A_0, %arg1 : i32
    "tpu.region"() ({
      %run_scoped3A = tpu.sem_alloc : memref<!tpu.dma_semaphore, #tpu.memory_space<semaphore_mem>>
      %dma_start3A_27 = arith.constant 0 : i32
      %dma_start3A_28 = arith.constant 0 : i32
      %dma_start3A_29 = tpu.memref_slice %arg2[%add3A, %dma_start3A_27, %dma_start3A_28] : memref<32x80x128xi32, #tpu.memory_space<hbm>> -> memref<1x80x128xi32, #tpu.memory_space<hbm>>
      %dma_start3A_30 = tpu.memref_squeeze %dma_start3A_29 : memref<1x80x128xi32, #tpu.memory_space<hbm>> -> memref<80x128xi32, #tpu.memory_space<hbm>>
      %dma_start3A_31 = arith.constant 0 : i32
      %dma_start3A_32 = arith.constant 0 : i32
      %dma_start3A_33 = tpu.memref_slice %arg2[%add3A, %dma_start3A_31, %dma_start3A_32] : memref<32x80x128xi32, #tpu.memory_space<hbm>> -> memref<1x80x128xi32, #tpu.memory_space<hbm>>
      %dma_start3A_34 = tpu.memref_squeeze %dma_start3A_33 : memref<1x80x128xi32, #tpu.memory_space<hbm>> -> memref<80x128xi32, #tpu.memory_space<hbm>>
      tpu.enqueue_dma source(%dma_start3A_34 : memref<80x128xi32, #tpu.memory_space<hbm>>) target(%arg5 : memref<80x128xi32, #tpu.memory_space<vmem>>) target_semaphore(%run_scoped3A : memref<!tpu.dma_semaphore, #tpu.memory_space<semaphore_mem>>)
      %dma_wait3A = arith.constant 0 : i32
      %dma_wait3A_35 = arith.constant 0 : i32
      %dma_wait3A_36 = tpu.memref_slice %arg2[%add3A, %dma_wait3A, %dma_wait3A_35] : memref<32x80x128xi32, #tpu.memory_space<hbm>> -> memref<1x80x128xi32, #tpu.memory_space<hbm>>
      %dma_wait3A_37 = tpu.memref_squeeze %dma_wait3A_36 : memref<1x80x128xi32, #tpu.memory_space<hbm>> -> memref<80x128xi32, #tpu.memory_space<hbm>>
      %dma_wait3A_38 = arith.constant 0 : i32
      %dma_wait3A_39 = arith.constant 0 : i32
      %dma_wait3A_40 = tpu.memref_slice %arg2[%add3A, %dma_wait3A_38, %dma_wait3A_39] : memref<32x80x128xi32, #tpu.memory_space<hbm>> -> memref<1x80x128xi32, #tpu.memory_space<hbm>>
      %dma_wait3A_41 = tpu.memref_squeeze %dma_wait3A_40 : memref<1x80x128xi32, #tpu.memory_space<hbm>> -> memref<80x128xi32, #tpu.memory_space<hbm>>
      tpu.wait_dma2 semaphore(%run_scoped3A : memref<!tpu.dma_semaphore, #tpu.memory_space<semaphore_mem>>) src(%dma_wait3A_41 : memref<80x128xi32, #tpu.memory_space<hbm>>) dst(%arg5 : memref<80x128xi32, #tpu.memory_space<vmem>>)
      tpu.yield
    }) : () -> ()
    %scan3A = arith.constant 0 : i32
    %scan3A_1 = arith.constant 128 : i32
    %scan3A_2 = arith.addi %scan3A, %scan3A_1 : i32
    %scan3A_3 = arith.constant 1 : i32
    scf.for %scan3A_27 = %scan3A to %scan3A_2 step %scan3A_3  : i32 {
      %mul3A_28 = arith.constant 1 : i32
      %mul3A_29 = arith.muli %scan3A_27, %mul3A_28 : i32
      %add3A_30 = arith.constant 0 : i32
      %add3A_31 = arith.addi %add3A_30, %mul3A_29 : i32
      %scan3A_32 = arith.constant 0 : i32
      %scan3A_33 = arith.constant 8 : i32
      %scan3A_34 = arith.addi %scan3A_32, %scan3A_33 : i32
      %scan3A_35 = arith.constant 1 : i32
      scf.for %scan3A_37 = %scan3A_32 to %scan3A_34 step %scan3A_35  : i32 {
        %mul3A_38 = arith.constant 16 : i32
        %mul3A_39 = arith.muli %scan3A_37, %mul3A_38 : i32
        %add3A_40 = arith.constant 0 : i32
        %add3A_41 = arith.addi %add3A_40, %mul3A_39 : i32
        %broadcast_in_dim3A = arith.constant 0.000000e+00 : f32
        %broadcast_in_dim3A_42 = vector.broadcast %broadcast_in_dim3A : f32 to vector<16xf32>
        %swap3A = arith.index_cast %add3A_31 : i32 to index
        %swap3A_43 = arith.index_cast %add3A_41 : i32 to index
        %swap3A_44 = tpu.vector_load %arg10[%swap3A, %swap3A_43] {strides = array<i32>} : memref<128x128xf32, #tpu.memory_space<vmem>>, vector<1x16xf32>,
        %swap3A_45 = vector.shape_cast %swap3A_44 : vector<1x16xf32> to vector<16xf32>
        %swap3A_46 = vector.shape_cast %broadcast_in_dim3A_42 : vector<16xf32> to vector<1x16xf32>
        tpu.vector_store %arg10[%swap3A, %swap3A_43], %swap3A_46 {strides = array<i32>} : memref<128x128xf32, #tpu.memory_space<vmem>>, vector<1x16xf32>,
      }
      %scan3A_36 = arith.constant 8 : i32
    }
    %scan3A_4 = arith.constant 128 : i32
    %scan3A_5 = arith.constant 0 : i32
    %scan3A_6 = arith.constant 5 : i32
    %scan3A_7 = arith.addi %scan3A_5, %scan3A_6 : i32
    %scan3A_8 = arith.constant 1 : i32
    scf.for %scan3A_27 = %scan3A_5 to %scan3A_7 step %scan3A_8  : i32 {
      %mul3A_28 = arith.constant 128 : i32
      %mul3A_29 = arith.muli %scan3A_27, %mul3A_28 : i32
      %add3A_30 = arith.constant 0 : i32
      %add3A_31 = arith.addi %add3A_30, %mul3A_29 : i32
      %mul3A_32 = arith.constant 640 : i32
      %mul3A_33 = arith.muli %arg1, %mul3A_32 : i32
      %add3A_34 = arith.addi %mul3A_33, %add3A_31 : i32
      "tpu.region"() ({
        %run_scoped3A = tpu.sem_alloc : memref<!tpu.dma_semaphore, #tpu.memory_space<semaphore_mem>>
        %dma_start3A_35 = arith.constant 0 : i32
        %dma_start3A_36 = tpu.memref_slice %arg12[%add3A_34, %dma_start3A_35] : memref<10240x128xf32, #tpu.memory_space<vmem_shared>> -> memref<128x128xf32, #tpu.memory_space<vmem_shared>>
        %dma_start3A_37 = arith.constant 0 : i32
        %dma_start3A_38 = tpu.memref_slice %arg12[%add3A_34, %dma_start3A_37] : memref<10240x128xf32, #tpu.memory_space<vmem_shared>> -> memref<128x128xf32, #tpu.memory_space<vmem_shared>>
        tpu.enqueue_dma source(%arg10 : memref<128x128xf32, #tpu.memory_space<vmem>>) target(%dma_start3A_38 : memref<128x128xf32, #tpu.memory_space<vmem_shared>>) target_semaphore(%run_scoped3A : memref<!tpu.dma_semaphore, #tpu.memory_space<semaphore_mem>>)
        %dma_wait3A = arith.constant 0 : i32
        %dma_wait3A_39 = tpu.memref_slice %arg12[%add3A_34, %dma_wait3A] : memref<10240x128xf32, #tpu.memory_space<vmem_shared>> -> memref<128x128xf32, #tpu.memory_space<vmem_shared>>
        %dma_wait3A_40 = arith.constant 0 : i32
        %dma_wait3A_41 = tpu.memref_slice %arg12[%add3A_34, %dma_wait3A_40] : memref<10240x128xf32, #tpu.memory_space<vmem_shared>> -> memref<128x128xf32, #tpu.memory_space<vmem_shared>>
        tpu.wait_dma2 semaphore(%run_scoped3A : memref<!tpu.dma_semaphore, #tpu.memory_space<semaphore_mem>>) src(%arg10 : memref<128x128xf32, #tpu.memory_space<vmem>>) dst(%dma_wait3A_41 : memref<128x128xf32, #tpu.memory_space<vmem_shared>>)
        tpu.yield
      }) : () -> ()
    }
    %scan3A_9 = arith.constant 5 : i32
    %barrier3A = arith.constant 0 : index
    tpu.barrier barrier_id(%barrier3A)
    %scan3A_10 = arith.constant 0 : i32
    %scan3A_11 = arith.constant 8 : i32
    %scan3A_12 = arith.addi %scan3A_10, %scan3A_11 : i32
    %scan3A_13 = arith.constant 1 : i32
    scf.for %scan3A_27 = %scan3A_10 to %scan3A_12 step %scan3A_13  : i32 {
      %mul3A_28 = arith.constant 16 : i32
      %mul3A_29 = arith.muli %scan3A_27, %mul3A_28 : i32
      %add3A_30 = arith.constant 0 : i32
      %add3A_31 = arith.addi %add3A_30, %mul3A_29 : i32
      %get3A = arith.constant 0 : i32
      %get3A_32 = arith.index_cast %get3A : i32 to index
      %get3A_33 = arith.index_cast %add3A_31 : i32 to index
      %get3A_34 = tpu.vector_load %arg5[%get3A_32, %get3A_33] {strides = array<i32>} : memref<80x128xi32, #tpu.memory_space<vmem>>, vector<1x16xi32>,
      %get3A_35 = vector.shape_cast %get3A_34 : vector<1x16xi32> to vector<16xi32>
      %and3A = arith.constant 65535 : i32
      %and3A_36 = vector.broadcast %and3A : i32 to vector<16xi32>
      %and3A_37 = arith.andi %get3A_35, %and3A_36 : vector<16xi32>
      %swap3A = arith.index_cast %add3A_31 : i32 to index
      %swap3A_38 = tpu.vector_load %arg6[%swap3A] {strides = array<i32>} : memref<128xi32, #tpu.memory_space<vmem>>, vector<16xi32>,
      %swap3A_39 = vector.shape_cast %swap3A_38 : vector<16xi32> to vector<16xi32>
      %swap3A_40 = vector.shape_cast %and3A_37 : vector<16xi32> to vector<16xi32>
      tpu.vector_store %arg6[%swap3A], %swap3A_40 {strides = array<i32>} : memref<128xi32, #tpu.memory_space<vmem>>, vector<16xi32>,
      %shift_right_logical3A = arith.constant 16 : i32
      %shift_right_logical3A_41 = vector.broadcast %shift_right_logical3A : i32 to vector<16xi32>
      %shift_right_logical3A_42 = arith.shrui %get3A_35, %shift_right_logical3A_41 : vector<16xi32>
      %swap3A_43 = arith.index_cast %add3A_31 : i32 to index
      %swap3A_44 = tpu.vector_load %arg8[%swap3A_43] {strides = array<i32>} : memref<128xi32, #tpu.memory_space<vmem>>, vector<16xi32>,
      %swap3A_45 = vector.shape_cast %swap3A_44 : vector<16xi32> to vector<16xi32>
      %swap3A_46 = vector.shape_cast %shift_right_logical3A_42 : vector<16xi32> to vector<16xi32>
      tpu.vector_store %arg8[%swap3A_43], %swap3A_46 {strides = array<i32>} : memref<128xi32, #tpu.memory_space<vmem>>, vector<16xi32>,
    }
    %scan3A_14 = arith.constant 8 : i32
    %dma_start3A = arith.constant 0 : i32
    %dma_start3A_15 = arith.constant 0 : i32
    %dma_start3A_16 = tpu.memref_slice %arg3[%dma_start3A, %dma_start3A_15] : memref<10000x128xf32, #tpu.memory_space<hbm>> -> memref<10000x128xf32, #tpu.memory_space<hbm>>
    tpu.enqueue_indirect_dma source(%dma_start3A_16 : memref<10000x128xf32, #tpu.memory_space<hbm>>) target(%arg10 : memref<128x128xf32, #tpu.memory_space<vmem>>) offsets(%arg6 : memref<128xi32, #tpu.memory_space<vmem>>) semaphore(%arg13 : memref<!tpu.dma_semaphore, #tpu.memory_space<semaphore_mem>>)
    %scan3A_17 = arith.constant 0 : i32
    %scan3A_18 = arith.constant 40 : i32
    %scan3A_19 = arith.addi %scan3A_17, %scan3A_18 : i32
    %scan3A_20 = arith.constant 1 : i32
    scf.for %scan3A_27 = %scan3A_17 to %scan3A_19 step %scan3A_20  : i32 {
      %mul3A_28 = arith.constant 2 : i32
      %mul3A_29 = arith.muli %scan3A_27, %mul3A_28 : i32
      %add3A_30 = arith.constant 0 : i32
      %add3A_31 = arith.addi %add3A_30, %mul3A_29 : i32
      %add3A_32 = arith.constant 0 : i32
      %add3A_33 = arith.addi %add3A_31, %add3A_32 : i32
      %dma_wait3A = arith.constant 0 : i32
      %dma_wait3A_34 = arith.constant 0 : i32
      %dma_wait3A_35 = tpu.memref_slice %arg3[%dma_wait3A, %dma_wait3A_34] : memref<10000x128xf32, #tpu.memory_space<hbm>> -> memref<10000x128xf32, #tpu.memory_space<hbm>>
      tpu.wait_indirect_dma semaphore(%arg13 : memref<!tpu.dma_semaphore, #tpu.memory_space<semaphore_mem>>) src(%dma_wait3A_35 : memref<10000x128xf32, #tpu.memory_space<hbm>>) dst(%arg10 : memref<128x128xf32, #tpu.memory_space<vmem>>)
      %add3A_36 = arith.constant 1 : i32
      %add3A_37 = arith.addi %add3A_33, %add3A_36 : i32
      %lt3A = arith.constant 80 : i32
      %lt3A_38 = arith.cmpi slt, %add3A_37, %lt3A : i32
      %convert_element_type3A = arith.extui %lt3A_38 : i1 to i32
      %cond3A = arith.constant 0 : i32
      %cond3A_39 = arith.cmpi ne, %convert_element_type3A, %cond3A : i32
      scf.if %cond3A_39 {
        %add3A_52 = arith.constant 1 : i32
        %add3A_53 = arith.addi %add3A_33, %add3A_52 : i32
        %scan3A_54 = arith.constant 0 : i32
        %scan3A_55 = arith.constant 8 : i32
        %scan3A_56 = arith.addi %scan3A_54, %scan3A_55 : i32
        %scan3A_57 = arith.constant 1 : i32
        scf.for %scan3A_62 = %scan3A_54 to %scan3A_56 step %scan3A_57  : i32 {
          %mul3A_63 = arith.constant 16 : i32
          %mul3A_64 = arith.muli %scan3A_62, %mul3A_63 : i32
          %add3A_65 = arith.constant 0 : i32
          %add3A_66 = arith.addi %add3A_65, %mul3A_64 : i32
          %get3A = arith.index_cast %add3A_53 : i32 to index
          %get3A_67 = arith.index_cast %add3A_66 : i32 to index
          %get3A_68 = tpu.vector_load %arg5[%get3A, %get3A_67] {strides = array<i32>} : memref<80x128xi32, #tpu.memory_space<vmem>>, vector<1x16xi32>,
          %get3A_69 = vector.shape_cast %get3A_68 : vector<1x16xi32> to vector<16xi32>
          %and3A = arith.constant 65535 : i32
          %and3A_70 = vector.broadcast %and3A : i32 to vector<16xi32>
          %and3A_71 = arith.andi %get3A_69, %and3A_70 : vector<16xi32>
          %swap3A = arith.index_cast %add3A_66 : i32 to index
          %swap3A_72 = tpu.vector_load %arg7[%swap3A] {strides = array<i32>} : memref<128xi32, #tpu.memory_space<vmem>>, vector<16xi32>,
          %swap3A_73 = vector.shape_cast %swap3A_72 : vector<16xi32> to vector<16xi32>
          %swap3A_74 = vector.shape_cast %and3A_71 : vector<16xi32> to vector<16xi32>
          tpu.vector_store %arg7[%swap3A], %swap3A_74 {strides = array<i32>} : memref<128xi32, #tpu.memory_space<vmem>>, vector<16xi32>,
          %shift_right_logical3A = arith.constant 16 : i32
          %shift_right_logical3A_75 = vector.broadcast %shift_right_logical3A : i32 to vector<16xi32>
          %shift_right_logical3A_76 = arith.shrui %get3A_69, %shift_right_logical3A_75 : vector<16xi32>
          %swap3A_77 = arith.index_cast %add3A_66 : i32 to index
          %swap3A_78 = tpu.vector_load %arg9[%swap3A_77] {strides = array<i32>} : memref<128xi32, #tpu.memory_space<vmem>>, vector<16xi32>,
          %swap3A_79 = vector.shape_cast %swap3A_78 : vector<16xi32> to vector<16xi32>
          %swap3A_80 = vector.shape_cast %shift_right_logical3A_76 : vector<16xi32> to vector<16xi32>
          tpu.vector_store %arg9[%swap3A_77], %swap3A_80 {strides = array<i32>} : memref<128xi32, #tpu.memory_space<vmem>>, vector<16xi32>,
        }
        %scan3A_58 = arith.constant 8 : i32
        %dma_start3A_59 = arith.constant 0 : i32
        %dma_start3A_60 = arith.constant 0 : i32
        %dma_start3A_61 = tpu.memref_slice %arg3[%dma_start3A_59, %dma_start3A_60] : memref<10000x128xf32, #tpu.memory_space<hbm>> -> memref<10000x128xf32, #tpu.memory_space<hbm>>
        tpu.enqueue_indirect_dma source(%dma_start3A_61 : memref<10000x128xf32, #tpu.memory_space<hbm>>) target(%arg11 : memref<128x128xf32, #tpu.memory_space<vmem>>) offsets(%arg7 : memref<128xi32, #tpu.memory_space<vmem>>) semaphore(%arg14 : memref<!tpu.dma_semaphore, #tpu.memory_space<semaphore_mem>>)
      } else {
      }
      "tpu.region"() ({
        %run_scoped3A = tpu.sem_alloc : memref<!tpu.dma_semaphore, #tpu.memory_space<semaphore_mem>>
        %dma_start3A_52 = arith.constant 0 : i32
        %dma_start3A_53 = arith.constant 0 : i32
        %dma_start3A_54 = tpu.memref_slice %arg12[%dma_start3A_52, %dma_start3A_53] : memref<10240x128xf32, #tpu.memory_space<vmem_shared>> -> memref<10240x128xf32, #tpu.memory_space<vmem_shared>>
        tpu.enqueue_indirect_dma source(%arg10 : memref<128x128xf32, #tpu.memory_space<vmem>>) target(%dma_start3A_54 : memref<10240x128xf32, #tpu.memory_space<vmem_shared>>) offsets(%arg8 : memref<128xi32, #tpu.memory_space<vmem>>) semaphore(%run_scoped3A : memref<!tpu.dma_semaphore, #tpu.memory_space<semaphore_mem>>) {add = true}
        %dma_wait3A_55 = arith.constant 0 : i32
        %dma_wait3A_56 = arith.constant 0 : i32
        %dma_wait3A_57 = tpu.memref_slice %arg12[%dma_wait3A_55, %dma_wait3A_56] : memref<10240x128xf32, #tpu.memory_space<vmem_shared>> -> memref<10240x128xf32, #tpu.memory_space<vmem_shared>>
        tpu.wait_indirect_dma semaphore(%run_scoped3A : memref<!tpu.dma_semaphore, #tpu.memory_space<semaphore_mem>>) src(%arg10 : memref<128x128xf32, #tpu.memory_space<vmem>>) dst(%dma_wait3A_57 : memref<10240x128xf32, #tpu.memory_space<vmem_shared>>)
        tpu.yield
      }) : () -> ()
      %add3A_40 = arith.constant 1 : i32
      %add3A_41 = arith.addi %add3A_31, %add3A_40 : i32
      %dma_wait3A_42 = arith.constant 0 : i32
      %dma_wait3A_43 = arith.constant 0 : i32
      %dma_wait3A_44 = tpu.memref_slice %arg3[%dma_wait3A_42, %dma_wait3A_43] : memref<10000x128xf32, #tpu.memory_space<hbm>> -> memref<10000x128xf32, #tpu.memory_space<hbm>>
      tpu.wait_indirect_dma semaphore(%arg14 : memref<!tpu.dma_semaphore, #tpu.memory_space<semaphore_mem>>) src(%dma_wait3A_44 : memref<10000x128xf32, #tpu.memory_space<hbm>>) dst(%arg11 : memref<128x128xf32, #tpu.memory_space<vmem>>)
      %add3A_45 = arith.constant 1 : i32
      %add3A_46 = arith.addi %add3A_41, %add3A_45 : i32
      %lt3A_47 = arith.constant 80 : i32
      %lt3A_48 = arith.cmpi slt, %add3A_46, %lt3A_47 : i32
      %convert_element_type3A_49 = arith.extui %lt3A_48 : i1 to i32
      %cond3A_50 = arith.constant 0 : i32
      %cond3A_51 = arith.cmpi ne, %convert_element_type3A_49, %cond3A_50 : i32
      scf.if %cond3A_51 {
        %add3A_52 = arith.constant 1 : i32
        %add3A_53 = arith.addi %add3A_41, %add3A_52 : i32
        %scan3A_54 = arith.constant 0 : i32
        %scan3A_55 = arith.constant 8 : i32
        %scan3A_56 = arith.addi %scan3A_54, %scan3A_55 : i32
        %scan3A_57 = arith.constant 1 : i32
        scf.for %scan3A_62 = %scan3A_54 to %scan3A_56 step %scan3A_57  : i32 {
          %mul3A_63 = arith.constant 16 : i32
          %mul3A_64 = arith.muli %scan3A_62, %mul3A_63 : i32
          %add3A_65 = arith.constant 0 : i32
          %add3A_66 = arith.addi %add3A_65, %mul3A_64 : i32
          %get3A = arith.index_cast %add3A_53 : i32 to index
          %get3A_67 = arith.index_cast %add3A_66 : i32 to index
          %get3A_68 = tpu.vector_load %arg5[%get3A, %get3A_67] {strides = array<i32>} : memref<80x128xi32, #tpu.memory_space<vmem>>, vector<1x16xi32>,
          %get3A_69 = vector.shape_cast %get3A_68 : vector<1x16xi32> to vector<16xi32>
          %and3A = arith.constant 65535 : i32
          %and3A_70 = vector.broadcast %and3A : i32 to vector<16xi32>
          %and3A_71 = arith.andi %get3A_69, %and3A_70 : vector<16xi32>
          %swap3A = arith.index_cast %add3A_66 : i32 to index
          %swap3A_72 = tpu.vector_load %arg6[%swap3A] {strides = array<i32>} : memref<128xi32, #tpu.memory_space<vmem>>, vector<16xi32>,
          %swap3A_73 = vector.shape_cast %swap3A_72 : vector<16xi32> to vector<16xi32>
          %swap3A_74 = vector.shape_cast %and3A_71 : vector<16xi32> to vector<16xi32>
          tpu.vector_store %arg6[%swap3A], %swap3A_74 {strides = array<i32>} : memref<128xi32, #tpu.memory_space<vmem>>, vector<16xi32>,
          %shift_right_logical3A = arith.constant 16 : i32
          %shift_right_logical3A_75 = vector.broadcast %shift_right_logical3A : i32 to vector<16xi32>
          %shift_right_logical3A_76 = arith.shrui %get3A_69, %shift_right_logical3A_75 : vector<16xi32>
          %swap3A_77 = arith.index_cast %add3A_66 : i32 to index
          %swap3A_78 = tpu.vector_load %arg8[%swap3A_77] {strides = array<i32>} : memref<128xi32, #tpu.memory_space<vmem>>, vector<16xi32>,
          %swap3A_79 = vector.shape_cast %swap3A_78 : vector<16xi32> to vector<16xi32>
          %swap3A_80 = vector.shape_cast %shift_right_logical3A_76 : vector<16xi32> to vector<16xi32>
          tpu.vector_store %arg8[%swap3A_77], %swap3A_80 {strides = array<i32>} : memref<128xi32, #tpu.memory_space<vmem>>, vector<16xi32>,
        }
        %scan3A_58 = arith.constant 8 : i32
        %dma_start3A_59 = arith.constant 0 : i32
        %dma_start3A_60 = arith.constant 0 : i32
        %dma_start3A_61 = tpu.memref_slice %arg3[%dma_start3A_59, %dma_start3A_60] : memref<10000x128xf32, #tpu.memory_space<hbm>> -> memref<10000x128xf32, #tpu.memory_space<hbm>>
        tpu.enqueue_indirect_dma source(%dma_start3A_61 : memref<10000x128xf32, #tpu.memory_space<hbm>>) target(%arg10 : memref<128x128xf32, #tpu.memory_space<vmem>>) offsets(%arg6 : memref<128xi32, #tpu.memory_space<vmem>>) semaphore(%arg13 : memref<!tpu.dma_semaphore, #tpu.memory_space<semaphore_mem>>)
      } else {
      }
      "tpu.region"() ({
        %run_scoped3A = tpu.sem_alloc : memref<!tpu.dma_semaphore, #tpu.memory_space<semaphore_mem>>
        %dma_start3A_52 = arith.constant 0 : i32
        %dma_start3A_53 = arith.constant 0 : i32
        %dma_start3A_54 = tpu.memref_slice %arg12[%dma_start3A_52, %dma_start3A_53] : memref<10240x128xf32, #tpu.memory_space<vmem_shared>> -> memref<10240x128xf32, #tpu.memory_space<vmem_shared>>
        tpu.enqueue_indirect_dma source(%arg11 : memref<128x128xf32, #tpu.memory_space<vmem>>) target(%dma_start3A_54 : memref<10240x128xf32, #tpu.memory_space<vmem_shared>>) offsets(%arg9 : memref<128xi32, #tpu.memory_space<vmem>>) semaphore(%run_scoped3A : memref<!tpu.dma_semaphore, #tpu.memory_space<semaphore_mem>>) {add = true}
        %dma_wait3A_55 = arith.constant 0 : i32
        %dma_wait3A_56 = arith.constant 0 : i32
        %dma_wait3A_57 = tpu.memref_slice %arg12[%dma_wait3A_55, %dma_wait3A_56] : memref<10240x128xf32, #tpu.memory_space<vmem_shared>> -> memref<10240x128xf32, #tpu.memory_space<vmem_shared>>
        tpu.wait_indirect_dma semaphore(%run_scoped3A : memref<!tpu.dma_semaphore, #tpu.memory_space<semaphore_mem>>) src(%arg11 : memref<128x128xf32, #tpu.memory_space<vmem>>) dst(%dma_wait3A_57 : memref<10240x128xf32, #tpu.memory_space<vmem_shared>>)
        tpu.yield
      }) : () -> ()
    }
    %scan3A_21 = arith.constant 40 : i32
    %barrier3A_22 = arith.constant 0 : index
    tpu.barrier barrier_id(%barrier3A_22)
    %mul3A_23 = arith.constant 640 : i32
    %mul3A_24 = arith.muli %arg1, %mul3A_23 : i32
    %mul3A_25 = arith.constant 640 : i32
    %mul3A_26 = arith.muli %arg1, %mul3A_25 : i32
    "tpu.region"() ({
      %run_scoped3A = tpu.sem_alloc : memref<!tpu.dma_semaphore, #tpu.memory_space<semaphore_mem>>
      %dma_start3A_27 = arith.constant 0 : i32
      %dma_start3A_28 = tpu.memref_slice %arg4[%arg0, %mul3A_26, %dma_start3A_27] : memref<2x10240x128xf32, #tpu.memory_space<hbm>> -> memref<1x640x128xf32, #tpu.memory_space<hbm>>
      %dma_start3A_29 = tpu.memref_squeeze %dma_start3A_28 : memref<1x640x128xf32, #tpu.memory_space<hbm>> -> memref<640x128xf32, #tpu.memory_space<hbm>>
      %dma_start3A_30 = arith.constant 0 : i32
      %dma_start3A_31 = tpu.memref_slice %arg12[%mul3A_24, %dma_start3A_30] : memref<10240x128xf32, #tpu.memory_space<vmem_shared>> -> memref<640x128xf32, #tpu.memory_space<vmem_shared>>
      tpu.enqueue_dma source(%dma_start3A_31 : memref<640x128xf32, #tpu.memory_space<vmem_shared>>) target(%dma_start3A_29 : memref<640x128xf32, #tpu.memory_space<hbm>>) target_semaphore(%run_scoped3A : memref<!tpu.dma_semaphore, #tpu.memory_space<semaphore_mem>>)
      %dma_wait3A = arith.constant 0 : i32
      %dma_wait3A_32 = tpu.memref_slice %arg4[%arg0, %mul3A_26, %dma_wait3A] : memref<2x10240x128xf32, #tpu.memory_space<hbm>> -> memref<1x640x128xf32, #tpu.memory_space<hbm>>
      %dma_wait3A_33 = tpu.memref_squeeze %dma_wait3A_32 : memref<1x640x128xf32, #tpu.memory_space<hbm>> -> memref<640x128xf32, #tpu.memory_space<hbm>>
      %dma_wait3A_34 = arith.constant 0 : i32
      %dma_wait3A_35 = tpu.memref_slice %arg12[%mul3A_24, %dma_wait3A_34] : memref<10240x128xf32, #tpu.memory_space<vmem_shared>> -> memref<640x128xf32, #tpu.memory_space<vmem_shared>>
      tpu.wait_dma2 semaphore(%run_scoped3A : memref<!tpu.dma_semaphore, #tpu.memory_space<semaphore_mem>>) src(%dma_wait3A_35 : memref<640x128xf32, #tpu.memory_space<vmem_shared>>) dst(%dma_wait3A_33 : memref<640x128xf32, #tpu.memory_space<hbm>>)
      tpu.yield
    }) : () -> ()
    return
  }
}

module attributes {stable_mosaic.version = 14 : i64} {
  func.func @_prologue_body(%arg0: memref<2x10240x16xf32, #tpu.memory_space<vmem>>, %arg1: memref<10000x128xf32, #tpu.memory_space<vmem>>, %arg2: memref<128x128xf32, #tpu.memory_space<vmem>>, %arg3: memref<10000x1xf32, #tpu.memory_space<vmem>>, %arg4: memref<10000x128xf32, #tpu.memory_space<vmem>>) attributes {dimension_semantics = [], scalar_prefetch = 0 : i64, scratch_operands = 0 : i64, tpu.core_type = #tpu.core_type<tc>} {
    %get3A = arith.constant 0 : index
    %get3A_0 = arith.constant 0 : index
    %get3A_1 = arith.constant 0 : index
    %get3A_2 = vector.load %arg0[%get3A, %get3A_0, %get3A_1] : memref<2x10240x16xf32, #tpu.memory_space<vmem>>, vector<2x10240x16xf32>
    %slice3A = vector.extract_strided_slice %get3A_2 {offsets = [0, 0, 0], sizes = [1, 10000, 16], strides = [1, 1, 1]} : vector<2x10240x16xf32> to vector<1x10000x16xf32>
    %squeeze3A = vector.shape_cast %slice3A : vector<1x10000x16xf32> to vector<10000x16xf32>
    %slice3A_3 = vector.extract_strided_slice %get3A_2 {offsets = [1, 0, 0], sizes = [1, 10000, 16], strides = [1, 1, 1]} : vector<2x10240x16xf32> to vector<1x10000x16xf32>
    %squeeze3A_4 = vector.shape_cast %slice3A_3 : vector<1x10000x16xf32> to vector<10000x16xf32>
    %add3A = arith.addf %squeeze3A, %squeeze3A_4 : vector<10000x16xf32>
    %reduce_sum3A = arith.constant dense<0.000000e+00> : vector<10000xf32>
    %reduce_sum3A_5 = vector.multi_reduction <add>, %add3A, %reduce_sum3A [1] : vector<10000x16xf32> to vector<10000xf32>
    %add3A_6 = arith.constant 1.000000e+00 : f32
    %add3A_7 = vector.broadcast %add3A_6 : f32 to vector<10000xf32>
    %add3A_8 = arith.addf %reduce_sum3A_5, %add3A_7 : vector<10000xf32>
    %rsqrt3A = math.rsqrt %add3A_8 : vector<10000xf32>
    %broadcast_in_dim3A = vector.shape_cast %rsqrt3A : vector<10000xf32> to vector<10000x1xf32>
    %get3A_9 = arith.constant 0 : index
    %get3A_10 = arith.constant 0 : index
    %get3A_11 = vector.load %arg1[%get3A_9, %get3A_10] : memref<10000x128xf32, #tpu.memory_space<vmem>>, vector<10000x128xf32>
    %get3A_12 = arith.constant 0 : index
    %get3A_13 = arith.constant 0 : index
    %get3A_14 = vector.load %arg2[%get3A_12, %get3A_13] : memref<128x128xf32, #tpu.memory_space<vmem>>, vector<128x128xf32>
    %dot_general3A = arith.constant dense<0.000000e+00> : vector<10000x128xf32>
    %dot_general3A_15 = tpu.matmul %get3A_11, %get3A_14, %dot_general3A {dimension_numbers = #tpu.dot_dimension_numbers<[1], [0], [0], [1], [0, 0, 1, 1], [], []>, transpose_lhs_hint = false} : vector<10000x128xf32>, vector<128x128xf32>, vector<10000x128xf32> -> vector<10000x128xf32>
    %swap3A = arith.constant 0 : index
    %swap3A_16 = arith.constant 0 : index
    %swap3A_17 = vector.load %arg3[%swap3A, %swap3A_16] : memref<10000x1xf32, #tpu.memory_space<vmem>>, vector<10000x1xf32>
    tpu.vector_store %arg3[%swap3A, %swap3A_16], %broadcast_in_dim3A {strides = array<i32>} : memref<10000x1xf32, #tpu.memory_space<vmem>>, vector<10000x1xf32>,
    %mul3A = vector.broadcast %broadcast_in_dim3A : vector<10000x1xf32> to vector<10000x128xf32>
    %mul3A_18 = arith.mulf %dot_general3A_15, %mul3A : vector<10000x128xf32>
    %swap3A_19 = arith.constant 0 : index
    %swap3A_20 = arith.constant 0 : index
    %swap3A_21 = vector.load %arg4[%swap3A_19, %swap3A_20] : memref<10000x128xf32, #tpu.memory_space<vmem>>, vector<10000x128xf32>
    tpu.vector_store %arg4[%swap3A_19, %swap3A_20], %mul3A_18 {strides = array<i32>} : memref<10000x128xf32, #tpu.memory_space<vmem>>, vector<10000x128xf32>,
    return
  }
}

module attributes {stable_mosaic.version = 14 : i64} {
  func.func @_mid_body(%arg0: memref<2x10240x128xf32, #tpu.memory_space<vmem>>, %arg1: memref<10000x128xf32, #tpu.memory_space<vmem>>, %arg2: memref<10000x1xf32, #tpu.memory_space<vmem>>, %arg3: memref<1x128xf32, #tpu.memory_space<vmem>>, %arg4: memref<128x128xf32, #tpu.memory_space<vmem>>, %arg5: memref<10000x128xf32, #tpu.memory_space<vmem>>) attributes {dimension_semantics = [], scalar_prefetch = 0 : i64, scratch_operands = 0 : i64, tpu.core_type = #tpu.core_type<tc>} {
    %get3A = arith.constant 0 : index
    %get3A_0 = arith.constant 0 : index
    %get3A_1 = arith.constant 0 : index
    %get3A_2 = vector.load %arg0[%get3A, %get3A_0, %get3A_1] : memref<2x10240x128xf32, #tpu.memory_space<vmem>>, vector<1x10000x128xf32>
    %get3A_3 = vector.shape_cast %get3A_2 : vector<1x10000x128xf32> to vector<10000x128xf32>
    %get3A_4 = arith.constant 1 : index
    %get3A_5 = arith.constant 0 : index
    %get3A_6 = arith.constant 0 : index
    %get3A_7 = vector.load %arg0[%get3A_4, %get3A_5, %get3A_6] : memref<2x10240x128xf32, #tpu.memory_space<vmem>>, vector<1x10000x128xf32>
    %get3A_8 = vector.shape_cast %get3A_7 : vector<1x10000x128xf32> to vector<10000x128xf32>
    %add3A = arith.addf %get3A_3, %get3A_8 : vector<10000x128xf32>
    %get3A_9 = arith.constant 0 : index
    %get3A_10 = arith.constant 0 : index
    %get3A_11 = vector.load %arg1[%get3A_9, %get3A_10] : memref<10000x128xf32, #tpu.memory_space<vmem>>, vector<10000x128xf32>
    %add3A_12 = arith.addf %add3A, %get3A_11 : vector<10000x128xf32>
    %get3A_13 = arith.constant 0 : index
    %get3A_14 = arith.constant 0 : index
    %get3A_15 = vector.load %arg2[%get3A_13, %get3A_14] : memref<10000x1xf32, #tpu.memory_space<vmem>>, vector<10000x1xf32>
    %mul3A = vector.broadcast %get3A_15 : vector<10000x1xf32> to vector<10000x128xf32>
    %mul3A_16 = arith.mulf %add3A_12, %mul3A : vector<10000x128xf32>
    %get3A_17 = arith.constant 0 : index
    %get3A_18 = arith.constant 0 : index
    %get3A_19 = vector.load %arg3[%get3A_17, %get3A_18] : memref<1x128xf32, #tpu.memory_space<vmem>>, vector<1x128xf32>
    %add3A_20 = vector.broadcast %get3A_19 : vector<1x128xf32> to vector<10000x128xf32>
    %add3A_21 = arith.addf %mul3A_16, %add3A_20 : vector<10000x128xf32>
    %max3A = arith.constant 0.000000e+00 : f32
    %max3A_22 = vector.broadcast %max3A : f32 to vector<10000x128xf32>
    %max3A_23 = arith.maximumf %add3A_21, %max3A_22 : vector<10000x128xf32>
    %get3A_24 = arith.constant 0 : index
    %get3A_25 = arith.constant 0 : index
    %get3A_26 = vector.load %arg4[%get3A_24, %get3A_25] : memref<128x128xf32, #tpu.memory_space<vmem>>, vector<128x128xf32>
    %dot_general3A = arith.constant dense<0.000000e+00> : vector<10000x128xf32>
    %dot_general3A_27 = tpu.matmul %max3A_23, %get3A_26, %dot_general3A {dimension_numbers = #tpu.dot_dimension_numbers<[1], [0], [0], [1], [0, 0, 1, 1], [], []>, transpose_lhs_hint = false} : vector<10000x128xf32>, vector<128x128xf32>, vector<10000x128xf32> -> vector<10000x128xf32>
    %mul3A_28 = vector.broadcast %get3A_15 : vector<10000x1xf32> to vector<10000x128xf32>
    %mul3A_29 = arith.mulf %dot_general3A_27, %mul3A_28 : vector<10000x128xf32>
    %swap3A = arith.constant 0 : index
    %swap3A_30 = arith.constant 0 : index
    %swap3A_31 = vector.load %arg5[%swap3A, %swap3A_30] : memref<10000x128xf32, #tpu.memory_space<vmem>>, vector<10000x128xf32>
    tpu.vector_store %arg5[%swap3A, %swap3A_30], %mul3A_29 {strides = array<i32>} : memref<10000x128xf32, #tpu.memory_space<vmem>>, vector<10000x128xf32>,
    return
  }
}

module attributes {stable_mosaic.version = 14 : i64} {
  func.func @_final_body(%arg0: memref<2x10240x128xf32, #tpu.memory_space<vmem>>, %arg1: memref<10000x128xf32, #tpu.memory_space<vmem>>, %arg2: memref<10000x1xf32, #tpu.memory_space<vmem>>, %arg3: memref<1x128xf32, #tpu.memory_space<vmem>>, %arg4: memref<10000x128xf32, #tpu.memory_space<vmem>>) attributes {dimension_semantics = [], scalar_prefetch = 0 : i64, scratch_operands = 0 : i64, tpu.core_type = #tpu.core_type<tc>} {
    %get3A = arith.constant 0 : index
    %get3A_0 = arith.constant 0 : index
    %get3A_1 = arith.constant 0 : index
    %get3A_2 = vector.load %arg0[%get3A, %get3A_0, %get3A_1] : memref<2x10240x128xf32, #tpu.memory_space<vmem>>, vector<1x10000x128xf32>
    %get3A_3 = vector.shape_cast %get3A_2 : vector<1x10000x128xf32> to vector<10000x128xf32>
    %get3A_4 = arith.constant 1 : index
    %get3A_5 = arith.constant 0 : index
    %get3A_6 = arith.constant 0 : index
    %get3A_7 = vector.load %arg0[%get3A_4, %get3A_5, %get3A_6] : memref<2x10240x128xf32, #tpu.memory_space<vmem>>, vector<1x10000x128xf32>
    %get3A_8 = vector.shape_cast %get3A_7 : vector<1x10000x128xf32> to vector<10000x128xf32>
    %add3A = arith.addf %get3A_3, %get3A_8 : vector<10000x128xf32>
    %get3A_9 = arith.constant 0 : index
    %get3A_10 = arith.constant 0 : index
    %get3A_11 = vector.load %arg1[%get3A_9, %get3A_10] : memref<10000x128xf32, #tpu.memory_space<vmem>>, vector<10000x128xf32>
    %add3A_12 = arith.addf %add3A, %get3A_11 : vector<10000x128xf32>
    %get3A_13 = arith.constant 0 : index
    %get3A_14 = arith.constant 0 : index
    %get3A_15 = vector.load %arg2[%get3A_13, %get3A_14] : memref<10000x1xf32, #tpu.memory_space<vmem>>, vector<10000x1xf32>
    %mul3A = vector.broadcast %get3A_15 : vector<10000x1xf32> to vector<10000x128xf32>
    %mul3A_16 = arith.mulf %add3A_12, %mul3A : vector<10000x128xf32>
    %get3A_17 = arith.constant 0 : index
    %get3A_18 = arith.constant 0 : index
    %get3A_19 = vector.load %arg3[%get3A_17, %get3A_18] : memref<1x128xf32, #tpu.memory_space<vmem>>, vector<1x128xf32>
    %add3A_20 = vector.broadcast %get3A_19 : vector<1x128xf32> to vector<10000x128xf32>
    %add3A_21 = arith.addf %mul3A_16, %add3A_20 : vector<10000x128xf32>
    %swap3A = arith.constant 0 : index
    %swap3A_22 = arith.constant 0 : index
    %swap3A_23 = vector.load %arg4[%swap3A, %swap3A_22] : memref<10000x128xf32, #tpu.memory_space<vmem>>, vector<10000x128xf32>
    tpu.vector_store %arg4[%swap3A, %swap3A_22], %add3A_21 {strides = array<i32>} : memref<10000x128xf32, #tpu.memory_space<vmem>>, vector<10000x128xf32>,
    return
  }
}

</mosaic_0001>

<sc_bundles>
// kernel: kernel.11.cloned.1.call-start
scs
__scs_entry_jumppad:
0x0: {  	(pc) =	sbr.rel $0x88, $3  }
0x1: {  	(tag) =	ssettag $0x0;
	lr =	simm.s32 $0x1  }
0x2: {  	[smem:$0x3F9B] =	sst lr;
	_ =	strace $0xD0000000  }
0x3: {  	_ = 	snop  }
0x4: {  	_ = 	snop  }
0x5: {  	_ = 	snop  }
0x6: {  	_ = 	snop  }
0x7: {  	_ = 	snop  }
__scs_overlays_trampoline_lowered:
0x8: {  	[smem:$0x3FAA] =	sst s0  }
0x9: {  	[smem:$0x3FAB] =	sst s1  }
0xa: {  	[smem:$0x3FAC] =	sst s2  }
0xb: {  	[smem:$0x3FAD] =	sst s3  }
0xc: {  	[smem:$0x3FAE] =	sst s4  }
0xd: {  	[smem:$0x3FAF] =	sst s5  }
0xe: {  	[smem:$0x3FB0] =	sst s6  }
0xf: {  	[smem:$0x3FB1] =	sst s7  }
0x10: {  	[smem:$0x3FB2] =	sst s8  }
0x11: {  	[smem:$0x3FB3] =	sst s9;
	s0 =	simm.s32 @!p0 $0x0  }
0x12: {  	s1 =	sld [smem:$0x3F99];
	s0 =	simm.s32 @p0 $0x1  }
0x13: {  	[smem:$0x3FB4] =	sst s0;
	s0 =	simm.s32 @!p1 $0x0  }
0x14: {  	s2 =	sld [smem:$0x3F98];
	s0 =	simm.s32 @p1 $0x1  }
0x15: {  	[smem:$0x3FB5] =	sst s0;
	s0 =	simm.s32 @!p2 $0x0  }
0x16: {  	s3 =	sld [smem:$0x3FDB];
	s0 =	simm.s32 @p2 $0x1  }
0x17: {  	s4 =	simm.s32 $0x1BF5;
	[smem:$0x3FB7] =	sst s0  }
0x18: {  	s0 =	sld [smem:$0x3F9A];
	_ =	swait.ge [sflag:s4], $0x0  }
0x19: {  	s7 =	sld [smem:$0x3F9B]  }
0x1a: {  	s8 =	sadd.s32 $0xFFFFE003, lr  }
0x1b: {  	s9 =	sadd.s32 $0xFFFFFEF7, lr;
	s5 =	simm.s32 $0xFFFFFFFF;
	p2 =	slt.u32 s8, $0xFFFFF086  }
0x1c: {  	p1 =	slt.u32 s9, $0xF7A;
	s5 =	simm.s32 @!p2 $0x0  }
0x1d: {  	s5 =	simm.s32 @p1 $0x1;
	p0 =	seq.s32 s7, s2  }
0x1e: {  	s7 =	smul.u32 @!p0 $0xF7A, s2;
	p2 =	seq.s32 @!p0 s5, $0x0  }
0x1f: {  	s9 =	smul.u32 $0xF7A, s1;
	s8 =	simm.s32 @!p0 $0x1BF5;
	p2 =	por !p2, p0  }
0x20: {  	[sflag:s8] =	ssyncset.s32 @!p0 $0xFFFFF086;
	s6 =	sadd.s32 @!p0 s3, s7;
	s7 =	simm.s32 @!p0 $0x108  }
0x21: {  	s3 =	sadd.s32 s3, s9;
	s6 =	sadd.s32 @!p0 $0x88, s6;
	s7 =	simm.s32 @p2 $0x1082  }
0x22: {  	[simem:s7], [sflag:s8] =	dma.local @!p0 [hbm:s6], $0xF7A  }
0x23: {  	s9 =	sor.u32 $0xD0000000, s2;
	s6 =	simm.s32 $0x108;
	_ =	swait.ge @!p0 [sflag:s8], $0x0  }
0x24: {  	s3 =	sadd.s32 $0x88, s3;
	s6 =	simm.s32 @!p1 $0x1082;
	[sflag:s4] =	ssyncset.s32 $0xFFFFF086  }
0x25: {  	[simem:s6], [sflag:s4] =	dma.local [hbm:s3], $0xF7A  }
0x26: {  	[smem:$0x3F9B] =	sst s1;
	(tag) =	ssettag s2;
	_ =	strace s9  }
0x27: {  	s1 =	sld [smem:$0x3FAB]  }
0x28: {  	s2 =	sld [smem:$0x3FAC]  }
0x29: {  	s4 =	sld [smem:$0x3FAE]  }
0x2a: {  	p0 =	seq.s32 s5, $0x0;
	s5 =	sld [smem:$0x3FAF]  }
0x2b: {  	s6 =	sld [smem:$0x3FB0]  }
0x2c: {  	s7 =	sld [smem:$0x3FB1]  }
0x2d: {  	s3 =	simm.s32 $0x108;
	s8 =	sld [smem:$0x3FB2]  }
0x2e: {  	s3 =	simm.s32 @!p0 $0x1082;
	s9 =	sld [smem:$0x3FB3]  }
0x2f: {  	lr =	sadd.s32 s0, s3;
	s0 =	sld [smem:$0x3FAA]  }
0x30: {  	s3 =	sld [smem:$0x3FAD]  }
0x31: {  	[smem:$0x3FB6] =	sst s10  }
0x32: {  	s10 =	sld [smem:$0x3FB4];
	_ =	sdelay $0x3  }
0x33: {  	p0 =	seq.s32 s10, $0x1;
	s10 =	sld [smem:$0x3FB6];
	_ =	sdelay $0x3  }
0x34: {  	[smem:$0x3FB6] =	sst s10  }
0x35: {  	s10 =	sld [smem:$0x3FB5];
	_ =	sdelay $0x3  }
0x36: {  	p1 =	seq.s32 s10, $0x1;
	s10 =	sld [smem:$0x3FB6];
	_ =	sdelay $0x3  }
0x37: {  	[smem:$0x3FB6] =	sst s10  }
0x38: {  	s10 =	sld [smem:$0x3FB7]  }
0x39: {  	_ = 	snop;
	(pc) =	sbr.ind lr, $3  }
0x3a: {  	_ = 	snop  }
0x3b: {  	_ = 	snop  }
0x3c: {  	p2 =	seq.s32 s10, $0x1;
	s10 =	sld [smem:$0x3FB6]  }
0x3d: {  	_ =	shalt  }
0x3e: {  	_ =	shalt  }
0x3f: {  	_ =	shalt  }
0x40: {  	_ =	shalt  }
0x41: {  	_ =	shalt  }
0x42: {  	_ =	shalt  }
0x43: {  	_ =	shalt  }
0x44: {  	_ =	shalt  }
0x45: {  	_ =	shalt  }
0x46: {  	_ =	shalt  }
0x47: {  	_ =	shalt  }
0x48: {  	_ =	shalt  }
0x49: {  	_ =	shalt  }
0x4a: {  	_ =	shalt  }
0x4b: {  	_ =	shalt  }
0x4c: {  	_ =	shalt  }
0x4d: {  	_ =	shalt  }
0x4e: {  	_ =	shalt  }
0x4f: {  	_ =	shalt  }
0x50: {  	_ =	shalt  }
0x51: {  	_ =	shalt  }
0x52: {  	_ =	shalt  }
0x53: {  	_ =	shalt  }
0x54: {  	_ =	shalt  }
0x55: {  	_ =	shalt  }
0x56: {  	_ =	shalt  }
0x57: {  	_ =	shalt  }
0x58: {  	_ =	shalt  }
0x59: {  	_ =	shalt  }
0x5a: {  	_ =	shalt  }
0x5b: {  	_ =	shalt  }
0x5c: {  	_ =	shalt  }
0x5d: {  	_ =	shalt  }
0x5e: {  	_ =	shalt  }
0x5f: {  	_ =	shalt  }
0x60: {  	_ =	shalt  }
0x61: {  	_ =	shalt  }
0x62: {  	_ =	shalt  }
0x63: {  	_ =	shalt  }
0x64: {  	_ =	shalt  }
0x65: {  	_ =	shalt  }
0x66: {  	_ =	shalt  }
0x67: {  	_ =	shalt  }
0x68: {  	_ =	shalt  }
0x69: {  	_ =	shalt  }
0x6a: {  	_ =	shalt  }
0x6b: {  	_ =	shalt  }
0x6c: {  	_ =	shalt  }
0x6d: {  	_ =	shalt  }
0x6e: {  	_ =	shalt  }
0x6f: {  	_ =	shalt  }
0x70: {  	_ =	shalt  }
0x71: {  	_ =	shalt  }
0x72: {  	_ =	shalt  }
0x73: {  	_ =	shalt  }
0x74: {  	_ =	shalt  }
0x75: {  	_ =	shalt  }
0x76: {  	_ =	shalt  }
0x77: {  	_ =	shalt  }
0x78: {  	_ =	shalt  }
0x79: {  	_ =	shalt  }
0x7a: {  	_ =	shalt  }
0x7b: {  	_ =	shalt  }
0x7c: {  	_ =	shalt  }
0x7d: {  	_ =	shalt  }
0x7e: {  	_ =	shalt  }
0x7f: {  	_ =	shalt  }
0x80: {  	_ =	shalt  }
0x81: {  	_ =	shalt  }
0x82: {  	_ =	shalt  }
0x83: {  	_ =	shalt  }
0x84: {  	_ =	shalt  }
0x85: {  	_ =	shalt  }
0x86: {  	_ =	shalt  }
0x87: {  	_ =	shalt  }
.Lfunc_end0:
.L_simem_size_0:
called_computation.1_lowered:
.L_overlay_start_0:
0x88: {  	s2 =	sld [smem:$0x3FD9]  }
0x89: {  	s3 =	sld [smem:$0x3FFE];
	_ =	sdelay $0x1  }
0x8a: {  	s1 =	srdreg.scid  }
0x8b: {  	s0 =	sand.u32 $0x1, s1  }
0x8c: {  	s17 =	sshll.u32 s0, $0xA;
	s2 =	sadd.s32 s3, s2  }
0x8d: {  	s2 =	sadd.s32 s2, s17  }
0x8e: {  	[smem:$0x3FC2] =	sst s2  }
0x8f: {  	_ = 	snop  }
0x90: {  	s2 =	sld [smem:$0x3FD0];
	(tm) =	ssettm $0x1  }
0x91: {  	s18 =	sld [smem:$0x3FFB];
	_ =	sdelay $0x3  }
0x92: {  	_ =	strace s18  }
0x93: {  	s3 =	sld [smem:$0x3FFC];
	_ =	sdelay $0x3  }
0x94: {  	_ =	strace s3  }
0x95: {  	s3 =	sld [smem:$0x3FFD];
	_ =	sdelay $0x3  }
0x96: {  	_ =	strace s3  }
0x97: {  	_ =	strace $0x8FFFFFFF  }
0x98: {  	s19 =	sld [smem:$0x3FDB];
	_ =	sdelay $0x1  }
0x99: {  	s4 =	simm.s32 $_scs_section_size  }
0x9a: {  	s5 =	simm.s32 $_size__tile_overlayer_lowered;
	s6 =	simm.s32 $_tile_overlayer_lowered  }
0x9b: {  	s22 =	simm.s32 $0x1BFF;
	s21 =	sshll.u32 s6, $0x1;
	s3 =	sadd.s32 s4, s19  }
0x9c: {  	s7 =	simm.s32 $0x0;
	s20 =	sshll.u32 s5, $0x1;
	s5 =	sadd.s32 s21, s3  }
0x9d: {  	[timem:s7], [sflag:s22] =	dma.local [hbm:s5], s20  }
0x9e: {  	_ =	swait.ge [sflag:s22], s20  }
0x9f: {  	s4 =	ssub.s32 $0x0, s20;
	[sflag:s22] =	ssyncset.done $0x0  }
0xa0: {  	[sflag:s22] =	ssyncadd.s32 s4;
	_ =	sdelay $0x1  }
0xa1: {  	s23 =	simm.s32 $0x1B8B  }
0xa2: {  	_ =	swait.ge [sflag:s23], $0x1  }
0xa3: {  	[sflag:s23] =	ssyncset.done $0x0  }
0xa4: {  	s25 =	simm.s32 $0x1B8E;
	s24 =	sld [smem:$0x3FFE];
	[sflag:s23] =	ssyncadd.s32 $0xFFFFFFFF  }
0xa5: {  	s26 =	simm.s32 $execute0_lowered;
	[smem:$0x3FD2] =	sst s25  }
0xa6: {  	s5 =	sshll.u32 s26, $0x1;
	_ =	strace $0x80000049;
	[dreg:$0x1] =	wrdreg $0xFFFFFFFF  }
0xa7: {  	s28 =	simm.s32 $_size_execute0_lowered;
	s3 =	sadd.s32 s3, s5;
	[dreg:$0x0] =	wrdreg $0x0  }
0xa8: {  	s5 =	sshll.u32 s28, $0x1;
	[dreg:$0x2] =	wrdreg s3  }
0xa9: {  	[dreg:$0x3] =	wrdreg s5  }
0xaa: {  	[dreg:$0x4] =	wrdreg $0xC0  }
0xab: {  	_ =	task [dreg:s7], $0x5FFFF  }
0xac: {  	[dreg:$0x1] =	wrdreg $0xFFFFFFFF  }
0xad: {  	[dreg:$0x0] =	wrdreg $0x60  }
0xae: {  	[dreg:$0x2] =	wrdreg s24  }
0xaf: {  	[dreg:$0x3] =	wrdreg s2  }
0xb0: {  	[dreg:$0x4] =	wrdreg $0xAA000  }
0xb1: {  	[dreg:$0x5] =	wrdreg $0x9  }
0xb2: {  	_ =	task.clear_ibuf [dreg:s7], $0x6FFFF;
	_ =	strace $0x90000049  }
0xb3: {  	s29 =	simm.s32 $0x9;
	_ =	strace $0x8000004B  }
0xb4: {  	_ =	swait.ge [sflag:s29], $0x1  }
0xb5: {  	[sflag:s29] =	ssyncadd.s32 $0xFFFFFFFF  }
0xb6: {  	_ =	strace $0x9000004B  }
0xb7: {  	_ =	sfence  }
0xb8: {  	s30 =	sld [smem:$0x0];
	_ =	sdelay $0x2  }
0xb9: {  	s31 =	sshll.u32 s1, $0xD;
	s1 =	sshrl.u32 s1, $0x2  }
0xba: {  	s3 =	sand.u32 $0x4000, s31;
	s1 =	sadd.s32 s1, s30  }
0xbb: {  	s0 =	sor.u32 s3, s0;
	s1 =	sshll.u32 s1, $0x11  }
0xbc: {  	s0 =	sor.u32 s1, s0  }
0xbd: {  	s0 =	sadd.s32 $0x8F2B, s0  }
0xbe: {  	[sflag:s0] =	ssyncadd.remote.s32 $0x1  }
0xbf: {  	_ =	sfence.sel $0xFFFF  }
0xc0: {  	[dreg:$0x0] =	wrdreg $0xFFFFFFFF;
	(pc) =	sbr.abs _section_cstart, $3  }
0xc1: {  	[dreg:$0x1] =	wrdreg $0xFFFFFFFF  }
0xc2: {  	_ =	task.clear_ibuf [dreg:s7], $0x2FFFF;
	_ =	strace $0x9FFFFFFF  }
0xc3: {  	(tm) =	ssettm $0x7FFFFFFF  }
tec
execute0_lowered:
.L_overlay_start_1:
0x0: {  	(tag) =	ssettag $0x1  }
0x1: {  	s5 =	rddreg [dreg:$0x0]  }
0x2: {  	s1 =	rddreg [dreg:$0x1]  }
0x3: {  	s2 =	rddreg [dreg:$0x2]  }
0x4: {  	s3 =	srdreg.scid;
	s0 =	rddreg [dreg:$0x3];
	s4 =	simm.s32 $0x0  }
0x5: {  	s13 =	simm.s32 $0x3;
	s14 =	simm.s32 $0x2A00;
	s15 =	simm.s32 $0x80  }
0x6: {  	s16 =	simm.s32 $0x2800;
	s17 =	simm.s32 $0x1;
	s18 =	simm.s32 $0x2880  }
0x7: {  	s19 =	simm.s32 $0x6A00;
	s20 =	simm.s32 $0x2900;
	s21 =	simm.s32 $0x2  }
0x8: {  	s22 =	simm.s32 $0x2980;
	s6 =	sand.u32 $0x1, s3;
	s3 =	stileid.u32  }
0x9: {  	s24 =	simm.s32 $0x0;
	[smem:$0x7FF] =	sst s4;
	s8 =	smul.u32 $0x140000, s6  }
0xa: {  	s7 =	sshll.u32 s6, $0x4;
	s9 =	smul.u32 $0x14000, s3;
	_ =	strace $0x8000004A  }
0xb: {  	s6 =	ssub.s32 $0x2, s6;
	s30 =	smul.u32 $0x50000, s3;
	s23 =	sshll.u32 s3, $0x6  }
0xc: {  	s7 =	sor.u32 s3, s7;
	s10 =	sshrl.u32 s6, $0x1;
	s23 =	sor.u32 $0x1C03, s23  }
0xd: {  	s7 =	smul.u32 $0x500, s7;
	s8 =	sadd.s32 s9, s8;
	s31 =	sshrl.u32 s30, $0x2  }
0xe: {  	s10 =	ssub.s32 s6, s10;
	s8 =	sshrl.u32 s8, $0x3;
	s6 =	sadd.s32 s31, s2  }
0xf: {  	s7 =	sadd.s32 s7, s5;
	s8 =	sadd.s32 s8, s5;
	s9 =	sadd.s32 $0x4000, s6  }
0x10: {  	s11 =	sadd.s32 $0xC000, s6;
	s12 =	sadd.s32 $0x10000, s6;
	s5 =	sadd.s32 $0x2800, s7  }
0x11: {  	v0 =	vimm.f32 $0.0e+00;
	s7 =	sadd.s32 $0xC800, s8;
	s8 =	smax.u32 s10, $0x1;
	s10 =	sadd.s32 $0x8000, s6  }
.LBB2_1:
0x12: {  	[tilespmem:s4], [sflag:$0x3] =	stream.linear.gather [hbm4b:s5+s4], $0x2800, $0x38;
	[tilespmem:$0x1EA00] =	vst v63  }
0x13: {  	_ =	swait.ge [sflag:s13], $0x2800  }
0x14: {  	[sflag:s13] =	ssyncset.done $0x0  }
0x15: {  	s25 =	simm.s32 $0x0;
	s26 =	simm.s32 $0x200;
	[sflag:s13] =	ssyncadd.s32 $0xFFFFD800  }
.LBB2_2:
0x16: {  	p0 =	sne.s32 s26, $0xFE00;
	[tilespmem:s25+$0x2A70] =	vst v0  }
0x17: {  	[tilespmem:s25+$0x2A00] =	vst v0  }
0x18: {  	[tilespmem:s25+$0x2A10] =	vst v0  }
.Ltmp0:
0x19: {  	[tilespmem:s25+$0x2A20] =	vst v0;
	(pc) =	sbr.rel @p0 .LBB2_2-.Ltmp0, $4  }
0x1a: {  	[tilespmem:s25+$0x2A30] =	vst v0  }
0x1b: {  	[tilespmem:s25+$0x2A40] =	vst v0  }
0x1c: {  	[tilespmem:s25+$0x2A50] =	vst v0  }
0x1d: {  	[tilespmem:s25+$0x2A60] =	vst v0;
	s25 =	sshra.s32 s26, $0x2;
	s26 =	sadd.s32 $0x200, s26  }
0x1e: {  	[tilespmem:s25+$0x2A70] =	vst v0  }
0x1f: {  	[tilespmem:s25+$0x2A00] =	vst v0  }
0x20: {  	[tilespmem:s25+$0x2A10] =	vst v0  }
0x21: {  	[tilespmem:s25+$0x2A20] =	vst v0  }
0x22: {  	[tilespmem:s25+$0x2A30] =	vst v0  }
0x23: {  	[tilespmem:s25+$0x2A40] =	vst v0  }
0x24: {  	[tilespmem:s25+$0x2A50] =	vst v0  }
0x25: {  	[tilespmem:s25+$0x2A60] =	vst v0  }
0x26: {  	[spmem:s6] =	stream.linear.scatter [tilespmem:s14], [sflag:$0x3], $0x4000, $0x38;
	[tilespmem:$0x1EA00] =	vst v63  }
0x27: {  	_ =	swait.ge [sflag:s13], $0x4000  }
0x28: {  	[sflag:s13] =	ssyncset.done $0x0  }
0x29: {  	[sflag:s13] =	ssyncadd.s32 $0xFFFFC000  }
0x2a: {  	[spmem:s9] =	stream.linear.scatter [tilespmem:s14], [sflag:$0x3], $0x4000, $0x38;
	[tilespmem:$0x1EA00] =	vst v63  }
0x2b: {  	_ =	swait.ge [sflag:s13], $0x4000  }
0x2c: {  	[sflag:s13] =	ssyncset.done $0x0  }
0x2d: {  	[sflag:s13] =	ssyncadd.s32 $0xFFFFC000  }
0x2e: {  	[spmem:s10] =	stream.linear.scatter [tilespmem:s14], [sflag:$0x3], $0x4000, $0x38;
	[tilespmem:$0x1EA00] =	vst v63  }
0x2f: {  	_ =	swait.ge [sflag:s13], $0x4000  }
0x30: {  	[sflag:s13] =	ssyncset.done $0x0  }
0x31: {  	[sflag:s13] =	ssyncadd.s32 $0xFFFFC000  }
0x32: {  	[spmem:s11] =	stream.linear.scatter [tilespmem:s14], [sflag:$0x3], $0x4000, $0x38;
	[tilespmem:$0x1EA00] =	vst v63  }
0x33: {  	_ =	swait.ge [sflag:s13], $0x4000  }
0x34: {  	[sflag:s13] =	ssyncset.done $0x0  }
0x35: {  	[sflag:s13] =	ssyncadd.s32 $0xFFFFC000  }
0x36: {  	[spmem:s12] =	stream.linear.scatter [tilespmem:s14], [sflag:$0x3], $0x4000, $0x38;
	[tilespmem:$0x1EA00] =	vst v63  }
0x37: {  	_ =	swait.ge [sflag:s13], $0x4000  }
0x38: {  	[sflag:s13] =	ssyncset.done $0x0  }
0x39: {  	[sflag:s13] =	ssyncadd.s32 $0xFFFFC000  }
0x3a: {  	[bflag:$0x0] =	sbarrier.arrive $0xFFFF  }
0x3b: {  	v1 =	vld [tilespmem:$0x0];
	_ =	sdelay $0x1  }
0x3c: {  	v2 =	vld [tilespmem:$0x10];
	_ =	sdelay $0x1  }
0x3d: {  	v3 =	vld [tilespmem:$0x20]  }
0x3e: {  	v4 =	vand.u32 $0xFFFF, v1  }
0x3f: {  	v62 =	vld [tilespmem:$0x30];
	v1 =	vshrl.u32 v1, $0x10;
	[tilespmem:$0x2800] =	vst v4  }
0x40: {  	[tilespmem:$0x2900] =	vst v1;
	v1 =	vand.u32 $0xFFFF, v2  }
0x41: {  	[tilespmem:$0x2810] =	vst v1;
	v1 =	vshrl.u32 v2, $0x10;
	v2 =	vld [tilespmem:$0x40]  }
0x42: {  	[tilespmem:$0x2910] =	vst v1;
	v1 =	vand.u32 $0xFFFF, v3  }
0x43: {  	[tilespmem:$0x2820] =	vst v1;
	v1 =	vshrl.u32 v3, $0x10;
	v3 =	vld [tilespmem:$0x50]  }
0x44: {  	[tilespmem:$0x2920] =	vst v1;
	v1 =	vand.u32 $0xFFFF, v62  }
0x45: {  	v63 =	vld [tilespmem:$0x60];
	[tilespmem:$0x2830] =	vst v1;
	v1 =	vshrl.u32 v62, $0x10  }
0x46: {  	[tilespmem:$0x2930] =	vst v1;
	v1 =	vand.u32 $0xFFFF, v2  }
0x47: {  	[tilespmem:$0x2840] =	vst v1;
	v1 =	vshrl.u32 v2, $0x10;
	v2 =	vld [tilespmem:$0x70]  }
0x48: {  	[tilespmem:$0x2940] =	vst v1;
	v1 =	vand.u32 $0xFFFF, v3  }
0x49: {  	[tilespmem:$0x2850] =	vst v1;
	v1 =	vshrl.u32 v3, $0x10  }
0x4a: {  	[tilespmem:$0x2950] =	vst v1;
	v1 =	vand.u32 $0xFFFF, v63  }
0x4b: {  	[tilespmem:$0x2860] =	vst v1;
	v1 =	vshrl.u32 v63, $0x10  }
0x4c: {  	[tilespmem:$0x2960] =	vst v1;
	v1 =	vand.u32 $0xFFFF, v2  }
0x4d: {  	[tilespmem:$0x2870] =	vst v1;
	v1 =	vshrl.u32 v2, $0x10  }
0x4e: {  	[tilespmem:$0x2970] =	vst v1  }
0x4f: {  	[tilespmem:s14], [sflag:$0x1] =	stream.indirect.gather [hbm4b:s1+s15], $0x80, s16, s15, $0xb8;
	[tilespmem:$0x1EA00] =	vst v63  }
0x50: {  	_ =	swait.ge [sflag:s17], $0x4000  }
0x51: {  	[sflag:s17] =	ssyncset.done $0x0  }
0x52: {  	s28 =	simm.s32 $0x0;
	[sflag:s17] =	ssyncadd.s32 $0xFFFFC000  }
0x53: {  	v1 =	vld [tilespmem:s28+$0x80];
	_ =	sdelay $0x4  }
0x54: {  	v2 =	vand.u32 $0xFFFF, v1  }
0x55: {  	v1 =	vshrl.u32 v1, $0x10;
	[tilespmem:$0x2880] =	vst v2  }
0x56: {  	[tilespmem:$0x2980] =	vst v1  }
0x57: {  	v1 =	vld [tilespmem:s28+$0x90];
	_ =	sdelay $0x4  }
0x58: {  	v2 =	vand.u32 $0xFFFF, v1  }
0x59: {  	v1 =	vshrl.u32 v1, $0x10;
	[tilespmem:$0x2890] =	vst v2  }
0x5a: {  	[tilespmem:$0x2990] =	vst v1  }
0x5b: {  	v1 =	vld [tilespmem:s28+$0xA0];
	_ =	sdelay $0x4  }
0x5c: {  	v2 =	vand.u32 $0xFFFF, v1  }
0x5d: {  	v1 =	vshrl.u32 v1, $0x10;
	[tilespmem:$0x28A0] =	vst v2  }
0x5e: {  	[tilespmem:$0x29A0] =	vst v1  }
0x5f: {  	v1 =	vld [tilespmem:s28+$0xB0];
	_ =	sdelay $0x4  }
0x60: {  	v2 =	vand.u32 $0xFFFF, v1  }
0x61: {  	v1 =	vshrl.u32 v1, $0x10;
	[tilespmem:$0x28B0] =	vst v2  }
0x62: {  	[tilespmem:$0x29B0] =	vst v1  }
0x63: {  	v1 =	vld [tilespmem:s28+$0xC0];
	_ =	sdelay $0x4  }
0x64: {  	v2 =	vand.u32 $0xFFFF, v1  }
0x65: {  	v1 =	vshrl.u32 v1, $0x10;
	[tilespmem:$0x28C0] =	vst v2  }
0x66: {  	[tilespmem:$0x29C0] =	vst v1  }
0x67: {  	v1 =	vld [tilespmem:s28+$0xD0];
	_ =	sdelay $0x4  }
0x68: {  	v2 =	vand.u32 $0xFFFF, v1  }
0x69: {  	v1 =	vshrl.u32 v1, $0x10;
	[tilespmem:$0x28D0] =	vst v2  }
0x6a: {  	[tilespmem:$0x29D0] =	vst v1  }
0x6b: {  	v1 =	vld [tilespmem:s28+$0xE0];
	_ =	sdelay $0x4  }
0x6c: {  	v2 =	vand.u32 $0xFFFF, v1  }
0x6d: {  	v1 =	vshrl.u32 v1, $0x10;
	[tilespmem:$0x28E0] =	vst v2  }
0x6e: {  	[tilespmem:$0x29E0] =	vst v1  }
0x6f: {  	v1 =	vld [tilespmem:s28+$0xF0];
	_ =	sdelay $0x4  }
0x70: {  	v2 =	vand.u32 $0xFFFF, v1  }
0x71: {  	v1 =	vshrl.u32 v1, $0x10;
	[tilespmem:$0x28F0] =	vst v2  }
0x72: {  	[tilespmem:$0x29F0] =	vst v1  }
0x73: {  	[tilespmem:s19], [sflag:$0x2] =	stream.indirect.gather [hbm4b:s1+s15], $0x80, s18, s15, $0xb8;
	[tilespmem:$0x1EA00] =	vst v63  }
0x74: {  	_ = 	snop  }
0x75: {  	[spmem:s2] =	stream.indirect.scatter.add.f32 [tilespmem:s14], [sflag:$0x3], $0x80, s20, s15, $0xb8;
	[tilespmem:$0x1EA00] =	vst v63  }
0x76: {  	_ =	swait.ge [sflag:s13], $0x4000  }
0x77: {  	[sflag:s13] =	ssyncset.done $0x0  }
0x78: {  	[sflag:s13] =	ssyncadd.s32 $0xFFFFC000  }
0x79: {  	_ =	swait.ge [sflag:s21], $0x4000  }
0x7a: {  	p1 =	por $0x0, $0x0;
	[sflag:s21] =	ssyncset.done $0x0  }
0x7b: {  	s26 =	simm.s32 @!p1 $0x0;
	[sflag:s21] =	ssyncadd.s32 $0xFFFFC000  }
0x7c: {  	v1 =	vld @!p1 [tilespmem:s26+$0x100];
	_ =	sdelay $0x4  }
0x7d: {  	v2 =	vand.u32 @!p1 $0xFFFF, v1  }
0x7e: {  	v1 =	vshrl.u32 @!p1 v1, $0x10;
	[tilespmem:$0x2800] =	vst @!p1 v2  }
0x7f: {  	[tilespmem:$0x2900] =	vst @!p1 v1  }
0x80: {  	v1 =	vld @!p1 [tilespmem:s26+$0x110];
	_ =	sdelay $0x4  }
0x81: {  	v2 =	vand.u32 @!p1 $0xFFFF, v1  }
0x82: {  	v1 =	vshrl.u32 @!p1 v1, $0x10;
	[tilespmem:$0x2810] =	vst @!p1 v2  }
0x83: {  	[tilespmem:$0x2910] =	vst @!p1 v1  }
0x84: {  	v1 =	vld @!p1 [tilespmem:s26+$0x120];
	_ =	sdelay $0x4  }
0x85: {  	v2 =	vand.u32 @!p1 $0xFFFF, v1  }
0x86: {  	v1 =	vshrl.u32 @!p1 v1, $0x10;
	[tilespmem:$0x2820] =	vst @!p1 v2  }
0x87: {  	[tilespmem:$0x2920] =	vst @!p1 v1  }
0x88: {  	v1 =	vld @!p1 [tilespmem:s26+$0x130];
	_ =	sdelay $0x4  }
0x89: {  	v2 =	vand.u32 @!p1 $0xFFFF, v1  }
0x8a: {  	v1 =	vshrl.u32 @!p1 v1, $0x10;
	[tilespmem:$0x2830] =	vst @!p1 v2  }
0x8b: {  	[tilespmem:$0x2930] =	vst @!p1 v1  }
0x8c: {  	v1 =	vld @!p1 [tilespmem:s26+$0x140];
	_ =	sdelay $0x4  }
0x8d: {  	v2 =	vand.u32 @!p1 $0xFFFF, v1  }
0x8e: {  	v1 =	vshrl.u32 @!p1 v1, $0x10;
	[tilespmem:$0x2840] =	vst @!p1 v2  }
0x8f: {  	[tilespmem:$0x2940] =	vst @!p1 v1  }
0x90: {  	v1 =	vld @!p1 [tilespmem:s26+$0x150];
	_ =	sdelay $0x4  }
0x91: {  	v2 =	vand.u32 @!p1 $0xFFFF, v1  }
0x92: {  	v1 =	vshrl.u32 @!p1 v1, $0x10;
	[tilespmem:$0x2850] =	vst @!p1 v2  }
0x93: {  	s25 =	simm.s32 $0x400;
	[tilespmem:$0x2950] =	vst @!p1 v1  }
0x94: {  	s29 =	simm.s32 @!p1 $0x80;
	s30 =	simm.s32 @!p1 $0x2800;
	s31 =	simm.s32 @!p1 $0x2A00;
	v1 =	vld @!p1 [tilespmem:s26+$0x160]  }
.LBB2_4:
0x95: {  	_ =	sdelay $0x3  }
0x96: {  	s28 =	smov.u32 s25;
	s25 =	sadd.s32 $0x400, s25;
	v2 =	vand.u32 @!p1 $0xFFFF, v1;
	v1 =	vshrl.u32 @!p1 v1, $0x10  }
0x97: {  	p0 =	sne.s32 s25, $0xA000;
	[tilespmem:$0x2860] =	vst @!p1 v2  }
0x98: {  	[tilespmem:$0x2960] =	vst @!p1 v1  }
0x99: {  	v1 =	vld @!p1 [tilespmem:s26+$0x170];
	_ =	sdelay $0x4  }
0x9a: {  	v2 =	vand.u32 @!p1 $0xFFFF, v1;
	v1 =	vshrl.u32 @!p1 v1, $0x10  }
0x9b: {  	[tilespmem:$0x2870] =	vst @!p1 v2  }
0x9c: {  	[tilespmem:$0x2970] =	vst @!p1 v1  }
0x9d: {  	[tilespmem:s31], [sflag:$0x1] =	stream.indirect.gather @!p1 [hbm4b:s1+s29], $0x80, s30, s29, $0xb8;
	[tilespmem:$0x1EA00] =	vst v63  }
0x9e: {  	_ = 	snop  }
0x9f: {  	[spmem:s2] =	stream.indirect.scatter.add.f32 [tilespmem:s19], [sflag:$0x3], $0x80, s22, s15, $0xb8;
	[tilespmem:$0x1EA00] =	vst v63  }
0xa0: {  	_ =	swait.ge [sflag:s13], $0x4000  }
0xa1: {  	[sflag:s13] =	ssyncset.done $0x0  }
0xa2: {  	[sflag:s13] =	ssyncadd.s32 $0xFFFFC000  }
0xa3: {  	_ =	swait.ge [sflag:s17], $0x4000  }
0xa4: {  	[sflag:s17] =	ssyncset.done $0x0  }
0xa5: {  	s26 =	sshra.s32 s28, $0x2;
	[sflag:s17] =	ssyncadd.s32 $0xFFFFC000  }
0xa6: {  	v1 =	vld [tilespmem:s26+$0x80];
	_ =	sdelay $0x4  }
0xa7: {  	v2 =	vand.u32 $0xFFFF, v1;
	v1 =	vshrl.u32 v1, $0x10  }
0xa8: {  	[tilespmem:$0x2880] =	vst v2  }
0xa9: {  	[tilespmem:$0x2980] =	vst v1  }
0xaa: {  	v1 =	vld [tilespmem:s26+$0x90];
	_ =	sdelay $0x4  }
0xab: {  	v2 =	vand.u32 $0xFFFF, v1;
	v1 =	vshrl.u32 v1, $0x10  }
0xac: {  	[tilespmem:$0x2890] =	vst v2  }
0xad: {  	[tilespmem:$0x2990] =	vst v1  }
0xae: {  	v1 =	vld [tilespmem:s26+$0xA0];
	_ =	sdelay $0x4  }
0xaf: {  	v2 =	vand.u32 $0xFFFF, v1;
	v1 =	vshrl.u32 v1, $0x10  }
0xb0: {  	[tilespmem:$0x28A0] =	vst v2  }
0xb1: {  	[tilespmem:$0x29A0] =	vst v1  }
0xb2: {  	v1 =	vld [tilespmem:s26+$0xB0];
	_ =	sdelay $0x4  }
0xb3: {  	v2 =	vand.u32 $0xFFFF, v1;
	v1 =	vshrl.u32 v1, $0x10  }
0xb4: {  	[tilespmem:$0x28B0] =	vst v2  }
0xb5: {  	[tilespmem:$0x29B0] =	vst v1  }
0xb6: {  	v1 =	vld [tilespmem:s26+$0xC0];
	_ =	sdelay $0x4  }
0xb7: {  	v2 =	vand.u32 $0xFFFF, v1;
	v1 =	vshrl.u32 v1, $0x10  }
0xb8: {  	[tilespmem:$0x28C0] =	vst v2  }
0xb9: {  	[tilespmem:$0x29C0] =	vst v1  }
0xba: {  	v1 =	vld [tilespmem:s26+$0xD0];
	_ =	sdelay $0x4  }
0xbb: {  	v2 =	vand.u32 $0xFFFF, v1;
	v1 =	vshrl.u32 v1, $0x10  }
0xbc: {  	[tilespmem:$0x28D0] =	vst v2  }
0xbd: {  	[tilespmem:$0x29D0] =	vst v1  }
0xbe: {  	v1 =	vld [tilespmem:s26+$0xE0];
	_ =	sdelay $0x4  }
0xbf: {  	v2 =	vand.u32 $0xFFFF, v1;
	v1 =	vshrl.u32 v1, $0x10  }
0xc0: {  	[tilespmem:$0x28E0] =	vst v2  }
0xc1: {  	[tilespmem:$0x29E0] =	vst v1  }
0xc2: {  	v1 =	vld [tilespmem:s26+$0xF0];
	_ =	sdelay $0x4  }
0xc3: {  	v2 =	vand.u32 $0xFFFF, v1;
	v1 =	vshrl.u32 v1, $0x10  }
0xc4: {  	p1 =	seq.s32 s28, $0x9C00;
	[tilespmem:$0x28F0] =	vst v2  }
0xc5: {  	s26 =	sshra.s32 @!p1 s28, $0x2;
	[tilespmem:$0x29F0] =	vst v1  }
0xc6: {  	[tilespmem:s19], [sflag:$0x2] =	stream.indirect.gather [hbm4b:s1+s15], $0x80, s18, s15, $0xb8;
	[tilespmem:$0x1EA00] =	vst v63  }
0xc7: {  	_ = 	snop  }
0xc8: {  	[spmem:s2] =	stream.indirect.scatter.add.f32 [tilespmem:s14], [sflag:$0x3], $0x80, s20, s15, $0xb8;
	[tilespmem:$0x1EA00] =	vst v63  }
0xc9: {  	_ =	swait.ge [sflag:s13], $0x4000  }
0xca: {  	[sflag:s13] =	ssyncset.done $0x0  }
0xcb: {  	[sflag:s13] =	ssyncadd.s32 $0xFFFFC000  }
0xcc: {  	_ =	swait.ge [sflag:s21], $0x4000  }
0xcd: {  	[sflag:s21] =	ssyncset.done $0x0  }
0xce: {  	[sflag:s21] =	ssyncadd.s32 $0xFFFFC000  }
0xcf: {  	v1 =	vld @!p1 [tilespmem:s26+$0x100];
	_ =	sdelay $0x4  }
0xd0: {  	v2 =	vand.u32 @!p1 $0xFFFF, v1;
	v1 =	vshrl.u32 @!p1 v1, $0x10  }
0xd1: {  	[tilespmem:$0x2800] =	vst @!p1 v2  }
0xd2: {  	[tilespmem:$0x2900] =	vst @!p1 v1  }
0xd3: {  	v1 =	vld @!p1 [tilespmem:s26+$0x110];
	_ =	sdelay $0x4  }
0xd4: {  	v2 =	vand.u32 @!p1 $0xFFFF, v1;
	v1 =	vshrl.u32 @!p1 v1, $0x10  }
0xd5: {  	[tilespmem:$0x2810] =	vst @!p1 v2  }
0xd6: {  	[tilespmem:$0x2910] =	vst @!p1 v1  }
0xd7: {  	v1 =	vld @!p1 [tilespmem:s26+$0x120];
	_ =	sdelay $0x4  }
0xd8: {  	v2 =	vand.u32 @!p1 $0xFFFF, v1;
	v1 =	vshrl.u32 @!p1 v1, $0x10  }
0xd9: {  	[tilespmem:$0x2820] =	vst @!p1 v2  }
0xda: {  	[tilespmem:$0x2920] =	vst @!p1 v1  }
0xdb: {  	v1 =	vld @!p1 [tilespmem:s26+$0x130];
	_ =	sdelay $0x4  }
0xdc: {  	v2 =	vand.u32 @!p1 $0xFFFF, v1;
	v1 =	vshrl.u32 @!p1 v1, $0x10  }
0xdd: {  	[tilespmem:$0x2830] =	vst @!p1 v2  }
0xde: {  	[tilespmem:$0x2930] =	vst @!p1 v1  }
0xdf: {  	v1 =	vld @!p1 [tilespmem:s26+$0x140];
	_ =	sdelay $0x4  }
0xe0: {  	v2 =	vand.u32 @!p1 $0xFFFF, v1;
	v1 =	vshrl.u32 @!p1 v1, $0x10  }
0xe1: {  	[tilespmem:$0x2840] =	vst @!p1 v2  }
0xe2: {  	[tilespmem:$0x2940] =	vst @!p1 v1  }
0xe3: {  	v1 =	vld @!p1 [tilespmem:s26+$0x150];
	_ =	sdelay $0x3  }
.Ltmp1:
0xe4: {  	(pc) =	sbr.rel @p0 .LBB2_4-.Ltmp1, $4  }
0xe5: {  	v2 =	vand.u32 @!p1 $0xFFFF, v1;
	v1 =	vshrl.u32 @!p1 v1, $0x10  }
0xe6: {  	[tilespmem:$0x2850] =	vst @!p1 v2  }
0xe7: {  	s29 =	simm.s32 @!p1 $0x80;
	s30 =	simm.s32 @!p1 $0x2800;
	s31 =	simm.s32 @!p1 $0x2A00;
	[tilespmem:$0x2950] =	vst @!p1 v1  }
0xe8: {  	v1 =	vld @!p1 [tilespmem:s26+$0x160]  }
0xe9: {  	_ =	sdelay $0x3  }
0xea: {  	v2 =	vand.u32 @!p1 $0xFFFF, v1  }
0xeb: {  	v1 =	vshrl.u32 @!p1 v1, $0x10;
	[tilespmem:$0x2860] =	vst @!p1 v2  }
0xec: {  	[tilespmem:$0x2960] =	vst @!p1 v1  }
0xed: {  	v1 =	vld @!p1 [tilespmem:s26+$0x170];
	_ =	sdelay $0x4  }
0xee: {  	v2 =	vand.u32 @!p1 $0xFFFF, v1  }
0xef: {  	v1 =	vshrl.u32 @!p1 v1, $0x10;
	[tilespmem:$0x2870] =	vst @!p1 v2  }
0xf0: {  	[tilespmem:$0x2970] =	vst @!p1 v1  }
0xf1: {  	[tilespmem:s31], [sflag:$0x1] =	stream.indirect.gather @!p1 [hbm4b:s1+s29], $0x80, s30, s29, $0xb8;
	[tilespmem:$0x1EA00] =	vst v63  }
0xf2: {  	_ = 	snop  }
0xf3: {  	[spmem:s2] =	stream.indirect.scatter.add.f32 [tilespmem:s19], [sflag:$0x3], $0x80, s22, s15, $0xb8;
	[tilespmem:$0x1EA00] =	vst v63  }
0xf4: {  	_ =	swait.ge [sflag:s13], $0x4000  }
0xf5: {  	s24 =	sadd.s32 $0x1, s24;
	[sflag:s13] =	ssyncset.done $0x0  }
0xf6: {  	p0 =	sne.s32 s24, s8;
	[sflag:s13] =	ssyncadd.s32 $0xFFFFC000  }
.Ltmp2:
0xf7: {  	s25 =	sshrl.u32 s6, $0x3;
	[bflag:$0x0] =	sbarrier.arrive $0xFFFF;
	(pc) =	sbr.rel @p0 .LBB2_1-.Ltmp2, $4  }
0xf8: {  	[hbm:s7], [sflag:s23] =	dma.local [spmem:s25], $0x2800  }
0xf9: {  	_ =	swait.ge [sflag:s13], $0x2800  }
0xfa: {  	[sflag:s13] =	ssyncset.done $0x0  }
0xfb: {  	[sflag:s13] =	ssyncadd.s32 $0xFFFFD800  }
0xfc: {  	_ =	sfence.sel $0x180000  }
0xfd: {  	[bflag:$0x0] =	sbarrier.arrive $0xFFFF  }
0xfe: {  	p0 =	sne.s32 s3, $0x0;
	_ =	strace $0x9000004A  }
0xff: {  	s0 =	sadd.s32 @!p0 $0x100000, s0;
	[bflag:$0x2] =	sbarrier.arrive $0xFFFF  }
0x100: {  	[sflag:s0] =	ssyncadd.tile.s32 @!p0 $0x1;
	_ =	shalt  }
.Lfunc_end2:
_tile_overlayer_lowered:
.L_overlay_start_2:
0x101: {  	(tag) =	ssettag $0x2  }
0x102: {  	s0 =	rddreg [dreg:$0x0];
	s2 =	stileid.u32  }
0x103: {  	s1 =	rddreg [dreg:$0x1];
	p0 =	sne.s32 s2, $0x0  }
0x104: {  	s3 =	rddreg [dreg:$0x2];
	[bflag:$0x3] =	sbarrier.arrive $0xFFFF;
	s2 =	simm.s32 @!p0 $0x1C03  }
0x105: {  	[timem:s3], [sflag:s2] =	dma.local @!p0 [hbm:s0], s1  }
0x106: {  	s0 =	simm.s32 @!p0 $0x3  }
0x107: {  	_ =	swait.ge @!p0 [sflag:s0], s1  }
0x108: {  	s1 =	ssub.s32 @!p0 $0x0, s1;
	[sflag:s0] =	ssyncset.done @!p0 $0x0  }
0x109: {  	[sflag:s0] =	ssyncadd.s32 @!p0 s1  }
0x10a: {  	[bflag:$0x3] =	sbarrier.arrive $0xFFFF  }
0x10b: {  	_ =	shalt  }

// kernel: kernel.14.cloned.1.call-start
scs
__scs_entry_jumppad:
0x0: {  	(pc) =	sbr.rel $0x88, $3  }
0x1: {  	(tag) =	ssettag $0x0;
	lr =	simm.s32 $0x1  }
0x2: {  	[smem:$0x3F9B] =	sst lr;
	_ =	strace $0xD0000000  }
0x3: {  	_ = 	snop  }
0x4: {  	_ = 	snop  }
0x5: {  	_ = 	snop  }
0x6: {  	_ = 	snop  }
0x7: {  	_ = 	snop  }
__scs_overlays_trampoline_lowered:
0x8: {  	[smem:$0x3FAA] =	sst s0  }
0x9: {  	[smem:$0x3FAB] =	sst s1  }
0xa: {  	[smem:$0x3FAC] =	sst s2  }
0xb: {  	[smem:$0x3FAD] =	sst s3  }
0xc: {  	[smem:$0x3FAE] =	sst s4  }
0xd: {  	[smem:$0x3FAF] =	sst s5  }
0xe: {  	[smem:$0x3FB0] =	sst s6  }
0xf: {  	[smem:$0x3FB1] =	sst s7  }
0x10: {  	[smem:$0x3FB2] =	sst s8  }
0x11: {  	[smem:$0x3FB3] =	sst s9;
	s0 =	simm.s32 @!p0 $0x0  }
0x12: {  	s1 =	sld [smem:$0x3F99];
	s0 =	simm.s32 @p0 $0x1  }
0x13: {  	[smem:$0x3FB4] =	sst s0;
	s0 =	simm.s32 @!p1 $0x0  }
0x14: {  	s2 =	sld [smem:$0x3F98];
	s0 =	simm.s32 @p1 $0x1  }
0x15: {  	[smem:$0x3FB5] =	sst s0;
	s0 =	simm.s32 @!p2 $0x0  }
0x16: {  	s3 =	sld [smem:$0x3FDB];
	s0 =	simm.s32 @p2 $0x1  }
0x17: {  	s4 =	simm.s32 $0x1BF5;
	[smem:$0x3FB7] =	sst s0  }
0x18: {  	s0 =	sld [smem:$0x3F9A];
	_ =	swait.ge [sflag:s4], $0x0  }
0x19: {  	s7 =	sld [smem:$0x3F9B]  }
0x1a: {  	s8 =	sadd.s32 $0xFFFFE003, lr  }
0x1b: {  	s9 =	sadd.s32 $0xFFFFFEF7, lr;
	s5 =	simm.s32 $0xFFFFFFFF;
	p2 =	slt.u32 s8, $0xFFFFF086  }
0x1c: {  	p1 =	slt.u32 s9, $0xF7A;
	s5 =	simm.s32 @!p2 $0x0  }
0x1d: {  	s5 =	simm.s32 @p1 $0x1;
	p0 =	seq.s32 s7, s2  }
0x1e: {  	s7 =	smul.u32 @!p0 $0xF7A, s2;
	p2 =	seq.s32 @!p0 s5, $0x0  }
0x1f: {  	s9 =	smul.u32 $0xF7A, s1;
	s8 =	simm.s32 @!p0 $0x1BF5;
	p2 =	por !p2, p0  }
0x20: {  	[sflag:s8] =	ssyncset.s32 @!p0 $0xFFFFF086;
	s6 =	sadd.s32 @!p0 s3, s7;
	s7 =	simm.s32 @!p0 $0x108  }
0x21: {  	s3 =	sadd.s32 s3, s9;
	s6 =	sadd.s32 @!p0 $0x88, s6;
	s7 =	simm.s32 @p2 $0x1082  }
0x22: {  	[simem:s7], [sflag:s8] =	dma.local @!p0 [hbm:s6], $0xF7A  }
0x23: {  	s9 =	sor.u32 $0xD0000000, s2;
	s6 =	simm.s32 $0x108;
	_ =	swait.ge @!p0 [sflag:s8], $0x0  }
0x24: {  	s3 =	sadd.s32 $0x88, s3;
	s6 =	simm.s32 @!p1 $0x1082;
	[sflag:s4] =	ssyncset.s32 $0xFFFFF086  }
0x25: {  	[simem:s6], [sflag:s4] =	dma.local [hbm:s3], $0xF7A  }
0x26: {  	[smem:$0x3F9B] =	sst s1;
	(tag) =	ssettag s2;
	_ =	strace s9  }
0x27: {  	s1 =	sld [smem:$0x3FAB]  }
0x28: {  	s2 =	sld [smem:$0x3FAC]  }
0x29: {  	s4 =	sld [smem:$0x3FAE]  }
0x2a: {  	p0 =	seq.s32 s5, $0x0;
	s5 =	sld [smem:$0x3FAF]  }
0x2b: {  	s6 =	sld [smem:$0x3FB0]  }
0x2c: {  	s7 =	sld [smem:$0x3FB1]  }
0x2d: {  	s3 =	simm.s32 $0x108;
	s8 =	sld [smem:$0x3FB2]  }
0x2e: {  	s3 =	simm.s32 @!p0 $0x1082;
	s9 =	sld [smem:$0x3FB3]  }
0x2f: {  	lr =	sadd.s32 s0, s3;
	s0 =	sld [smem:$0x3FAA]  }
0x30: {  	s3 =	sld [smem:$0x3FAD]  }
0x31: {  	[smem:$0x3FB6] =	sst s10  }
0x32: {  	s10 =	sld [smem:$0x3FB4];
	_ =	sdelay $0x3  }
0x33: {  	p0 =	seq.s32 s10, $0x1;
	s10 =	sld [smem:$0x3FB6];
	_ =	sdelay $0x3  }
0x34: {  	[smem:$0x3FB6] =	sst s10  }
0x35: {  	s10 =	sld [smem:$0x3FB5];
	_ =	sdelay $0x3  }
0x36: {  	p1 =	seq.s32 s10, $0x1;
	s10 =	sld [smem:$0x3FB6];
	_ =	sdelay $0x3  }
0x37: {  	[smem:$0x3FB6] =	sst s10  }
0x38: {  	s10 =	sld [smem:$0x3FB7]  }
0x39: {  	_ = 	snop;
	(pc) =	sbr.ind lr, $3  }
0x3a: {  	_ = 	snop  }
0x3b: {  	_ = 	snop  }
0x3c: {  	p2 =	seq.s32 s10, $0x1;
	s10 =	sld [smem:$0x3FB6]  }
0x3d: {  	_ =	shalt  }
0x3e: {  	_ =	shalt  }
0x3f: {  	_ =	shalt  }
0x40: {  	_ =	shalt  }
0x41: {  	_ =	shalt  }
0x42: {  	_ =	shalt  }
0x43: {  	_ =	shalt  }
0x44: {  	_ =	shalt  }
0x45: {  	_ =	shalt  }
0x46: {  	_ =	shalt  }
0x47: {  	_ =	shalt  }
0x48: {  	_ =	shalt  }
0x49: {  	_ =	shalt  }
0x4a: {  	_ =	shalt  }
0x4b: {  	_ =	shalt  }
0x4c: {  	_ =	shalt  }
0x4d: {  	_ =	shalt  }
0x4e: {  	_ =	shalt  }
0x4f: {  	_ =	shalt  }
0x50: {  	_ =	shalt  }
0x51: {  	_ =	shalt  }
0x52: {  	_ =	shalt  }
0x53: {  	_ =	shalt  }
0x54: {  	_ =	shalt  }
0x55: {  	_ =	shalt  }
0x56: {  	_ =	shalt  }
0x57: {  	_ =	shalt  }
0x58: {  	_ =	shalt  }
0x59: {  	_ =	shalt  }
0x5a: {  	_ =	shalt  }
0x5b: {  	_ =	shalt  }
0x5c: {  	_ =	shalt  }
0x5d: {  	_ =	shalt  }
0x5e: {  	_ =	shalt  }
0x5f: {  	_ =	shalt  }
0x60: {  	_ =	shalt  }
0x61: {  	_ =	shalt  }
0x62: {  	_ =	shalt  }
0x63: {  	_ =	shalt  }
0x64: {  	_ =	shalt  }
0x65: {  	_ =	shalt  }
0x66: {  	_ =	shalt  }
0x67: {  	_ =	shalt  }
0x68: {  	_ =	shalt  }
0x69: {  	_ =	shalt  }
0x6a: {  	_ =	shalt  }
0x6b: {  	_ =	shalt  }
0x6c: {  	_ =	shalt  }
0x6d: {  	_ =	shalt  }
0x6e: {  	_ =	shalt  }
0x6f: {  	_ =	shalt  }
0x70: {  	_ =	shalt  }
0x71: {  	_ =	shalt  }
0x72: {  	_ =	shalt  }
0x73: {  	_ =	shalt  }
0x74: {  	_ =	shalt  }
0x75: {  	_ =	shalt  }
0x76: {  	_ =	shalt  }
0x77: {  	_ =	shalt  }
0x78: {  	_ =	shalt  }
0x79: {  	_ =	shalt  }
0x7a: {  	_ =	shalt  }
0x7b: {  	_ =	shalt  }
0x7c: {  	_ =	shalt  }
0x7d: {  	_ =	shalt  }
0x7e: {  	_ =	shalt  }
0x7f: {  	_ =	shalt  }
0x80: {  	_ =	shalt  }
0x81: {  	_ =	shalt  }
0x82: {  	_ =	shalt  }
0x83: {  	_ =	shalt  }
0x84: {  	_ =	shalt  }
0x85: {  	_ =	shalt  }
0x86: {  	_ =	shalt  }
0x87: {  	_ =	shalt  }
.Lfunc_end0:
.L_simem_size_0:
called_computation.2_lowered:
.L_overlay_start_0:
0x88: {  	s2 =	sld [smem:$0x3FD9]  }
0x89: {  	s3 =	sld [smem:$0x3FFE];
	_ =	sdelay $0x1  }
0x8a: {  	s1 =	srdreg.scid  }
0x8b: {  	s0 =	sand.u32 $0x1, s1  }
0x8c: {  	s17 =	sshll.u32 s0, $0xA;
	s2 =	sadd.s32 s3, s2  }
0x8d: {  	s2 =	sadd.s32 s2, s17  }
0x8e: {  	[smem:$0x3FC2] =	sst s2  }
0x8f: {  	_ = 	snop  }
0x90: {  	s2 =	sld [smem:$0x3FD0];
	(tm) =	ssettm $0x1  }
0x91: {  	s18 =	sld [smem:$0x3FFB];
	_ =	sdelay $0x3  }
0x92: {  	_ =	strace s18  }
0x93: {  	s3 =	sld [smem:$0x3FFC];
	_ =	sdelay $0x3  }
0x94: {  	_ =	strace s3  }
0x95: {  	s3 =	sld [smem:$0x3FFD];
	_ =	sdelay $0x3  }
0x96: {  	_ =	strace s3  }
0x97: {  	_ =	strace $0x8FFFFFFF  }
0x98: {  	s19 =	sld [smem:$0x3FDB];
	_ =	sdelay $0x1  }
0x99: {  	s4 =	simm.s32 $_scs_section_size  }
0x9a: {  	s5 =	simm.s32 $_size__tile_overlayer_lowered;
	s6 =	simm.s32 $_tile_overlayer_lowered  }
0x9b: {  	s22 =	simm.s32 $0x1BFF;
	s21 =	sshll.u32 s6, $0x1;
	s3 =	sadd.s32 s4, s19  }
0x9c: {  	s7 =	simm.s32 $0x0;
	s20 =	sshll.u32 s5, $0x1;
	s5 =	sadd.s32 s21, s3  }
0x9d: {  	[timem:s7], [sflag:s22] =	dma.local [hbm:s5], s20  }
0x9e: {  	_ =	swait.ge [sflag:s22], s20  }
0x9f: {  	s4 =	ssub.s32 $0x0, s20;
	[sflag:s22] =	ssyncset.done $0x0  }
0xa0: {  	[sflag:s22] =	ssyncadd.s32 s4;
	_ =	sdelay $0x1  }
0xa1: {  	s23 =	simm.s32 $0x1B8B  }
0xa2: {  	_ =	swait.ge [sflag:s23], $0x1  }
0xa3: {  	[sflag:s23] =	ssyncset.done $0x0  }
0xa4: {  	s25 =	simm.s32 $0x1B8E;
	s24 =	sld [smem:$0x3FFE];
	[sflag:s23] =	ssyncadd.s32 $0xFFFFFFFF  }
0xa5: {  	s26 =	simm.s32 $execute0_lowered;
	[smem:$0x3FD2] =	sst s25  }
0xa6: {  	s5 =	sshll.u32 s26, $0x1;
	_ =	strace $0x8000004C;
	[dreg:$0x1] =	wrdreg $0xFFFFFFFF  }
0xa7: {  	s28 =	simm.s32 $_size_execute0_lowered;
	s3 =	sadd.s32 s3, s5;
	[dreg:$0x0] =	wrdreg $0x0  }
0xa8: {  	s5 =	sshll.u32 s28, $0x1;
	[dreg:$0x2] =	wrdreg s3  }
0xa9: {  	[dreg:$0x3] =	wrdreg s5  }
0xaa: {  	[dreg:$0x4] =	wrdreg $0xC0  }
0xab: {  	_ =	task [dreg:s7], $0x5FFFF  }
0xac: {  	[dreg:$0x1] =	wrdreg $0xFFFFFFFF  }
0xad: {  	[dreg:$0x0] =	wrdreg $0x60  }
0xae: {  	[dreg:$0x2] =	wrdreg s24  }
0xaf: {  	[dreg:$0x3] =	wrdreg s2  }
0xb0: {  	[dreg:$0x4] =	wrdreg $0xAA000  }
0xb1: {  	[dreg:$0x5] =	wrdreg $0x9  }
0xb2: {  	_ =	task.clear_ibuf [dreg:s7], $0x6FFFF;
	_ =	strace $0x9000004C  }
0xb3: {  	s29 =	simm.s32 $0x9;
	_ =	strace $0x8000004E  }
0xb4: {  	_ =	swait.ge [sflag:s29], $0x1  }
0xb5: {  	[sflag:s29] =	ssyncadd.s32 $0xFFFFFFFF  }
0xb6: {  	_ =	strace $0x9000004E  }
0xb7: {  	_ =	sfence  }
0xb8: {  	s30 =	sld [smem:$0x0];
	_ =	sdelay $0x2  }
0xb9: {  	s31 =	sshll.u32 s1, $0xD;
	s1 =	sshrl.u32 s1, $0x2  }
0xba: {  	s3 =	sand.u32 $0x4000, s31;
	s1 =	sadd.s32 s1, s30  }
0xbb: {  	s0 =	sor.u32 s3, s0;
	s1 =	sshll.u32 s1, $0x11  }
0xbc: {  	s0 =	sor.u32 s1, s0  }
0xbd: {  	s0 =	sadd.s32 $0x8F2B, s0  }
0xbe: {  	[sflag:s0] =	ssyncadd.remote.s32 $0x1  }
0xbf: {  	_ =	sfence.sel $0xFFFF  }
0xc0: {  	[dreg:$0x0] =	wrdreg $0xFFFFFFFF;
	(pc) =	sbr.abs _section_cstart, $3  }
0xc1: {  	[dreg:$0x1] =	wrdreg $0xFFFFFFFF  }
0xc2: {  	_ =	task.clear_ibuf [dreg:s7], $0x2FFFF;
	_ =	strace $0x9FFFFFFF  }
0xc3: {  	(tm) =	ssettm $0x7FFFFFFF  }
tec
execute0_lowered:
.L_overlay_start_1:
0x0: {  	(tag) =	ssettag $0x1  }
0x1: {  	s5 =	rddreg [dreg:$0x0]  }
0x2: {  	s1 =	rddreg [dreg:$0x1]  }
0x3: {  	s2 =	rddreg [dreg:$0x2]  }
0x4: {  	s3 =	srdreg.scid;
	s0 =	rddreg [dreg:$0x3];
	s4 =	simm.s32 $0x0  }
0x5: {  	s13 =	simm.s32 $0x3;
	s14 =	simm.s32 $0x2A00;
	s15 =	simm.s32 $0x80  }
0x6: {  	s16 =	simm.s32 $0x2800;
	s17 =	simm.s32 $0x1;
	s18 =	simm.s32 $0x2880  }
0x7: {  	s19 =	simm.s32 $0x6A00;
	s20 =	simm.s32 $0x2900;
	s21 =	simm.s32 $0x2  }
0x8: {  	s22 =	simm.s32 $0x2980;
	s6 =	sand.u32 $0x1, s3;
	s3 =	stileid.u32  }
0x9: {  	s24 =	simm.s32 $0x0;
	[smem:$0x7FF] =	sst s4;
	s8 =	smul.u32 $0x140000, s6  }
0xa: {  	s7 =	sshll.u32 s6, $0x4;
	s9 =	smul.u32 $0x14000, s3;
	_ =	strace $0x8000004D  }
0xb: {  	s6 =	ssub.s32 $0x2, s6;
	s30 =	smul.u32 $0x50000, s3;
	s23 =	sshll.u32 s3, $0x6  }
0xc: {  	s7 =	sor.u32 s3, s7;
	s10 =	sshrl.u32 s6, $0x1;
	s23 =	sor.u32 $0x1C03, s23  }
0xd: {  	s7 =	smul.u32 $0x500, s7;
	s8 =	sadd.s32 s9, s8;
	s31 =	sshrl.u32 s30, $0x2  }
0xe: {  	s10 =	ssub.s32 s6, s10;
	s8 =	sshrl.u32 s8, $0x3;
	s6 =	sadd.s32 s31, s2  }
0xf: {  	s7 =	sadd.s32 s7, s5;
	s8 =	sadd.s32 s8, s5;
	s9 =	sadd.s32 $0x4000, s6  }
0x10: {  	s11 =	sadd.s32 $0xC000, s6;
	s12 =	sadd.s32 $0x10000, s6;
	s5 =	sadd.s32 $0x2800, s7  }
0x11: {  	v0 =	vimm.f32 $0.0e+00;
	s7 =	sadd.s32 $0xC800, s8;
	s8 =	smax.u32 s10, $0x1;
	s10 =	sadd.s32 $0x8000, s6  }
.LBB2_1:
0x12: {  	[tilespmem:s4], [sflag:$0x3] =	stream.linear.gather [hbm4b:s5+s4], $0x2800, $0x38;
	[tilespmem:$0x1EA00] =	vst v63  }
0x13: {  	_ =	swait.ge [sflag:s13], $0x2800  }
0x14: {  	[sflag:s13] =	ssyncset.done $0x0  }
0x15: {  	s25 =	simm.s32 $0x0;
	s26 =	simm.s32 $0x200;
	[sflag:s13] =	ssyncadd.s32 $0xFFFFD800  }
.LBB2_2:
0x16: {  	p0 =	sne.s32 s26, $0xFE00;
	[tilespmem:s25+$0x2A70] =	vst v0  }
0x17: {  	[tilespmem:s25+$0x2A00] =	vst v0  }
0x18: {  	[tilespmem:s25+$0x2A10] =	vst v0  }
.Ltmp0:
0x19: {  	[tilespmem:s25+$0x2A20] =	vst v0;
	(pc) =	sbr.rel @p0 .LBB2_2-.Ltmp0, $4  }
0x1a: {  	[tilespmem:s25+$0x2A30] =	vst v0  }
0x1b: {  	[tilespmem:s25+$0x2A40] =	vst v0  }
0x1c: {  	[tilespmem:s25+$0x2A50] =	vst v0  }
0x1d: {  	[tilespmem:s25+$0x2A60] =	vst v0;
	s25 =	sshra.s32 s26, $0x2;
	s26 =	sadd.s32 $0x200, s26  }
0x1e: {  	[tilespmem:s25+$0x2A70] =	vst v0  }
0x1f: {  	[tilespmem:s25+$0x2A00] =	vst v0  }
0x20: {  	[tilespmem:s25+$0x2A10] =	vst v0  }
0x21: {  	[tilespmem:s25+$0x2A20] =	vst v0  }
0x22: {  	[tilespmem:s25+$0x2A30] =	vst v0  }
0x23: {  	[tilespmem:s25+$0x2A40] =	vst v0  }
0x24: {  	[tilespmem:s25+$0x2A50] =	vst v0  }
0x25: {  	[tilespmem:s25+$0x2A60] =	vst v0  }
0x26: {  	[spmem:s6] =	stream.linear.scatter [tilespmem:s14], [sflag:$0x3], $0x4000, $0x38;
	[tilespmem:$0x1EA00] =	vst v63  }
0x27: {  	_ =	swait.ge [sflag:s13], $0x4000  }
0x28: {  	[sflag:s13] =	ssyncset.done $0x0  }
0x29: {  	[sflag:s13] =	ssyncadd.s32 $0xFFFFC000  }
0x2a: {  	[spmem:s9] =	stream.linear.scatter [tilespmem:s14], [sflag:$0x3], $0x4000, $0x38;
	[tilespmem:$0x1EA00] =	vst v63  }
0x2b: {  	_ =	swait.ge [sflag:s13], $0x4000  }
0x2c: {  	[sflag:s13] =	ssyncset.done $0x0  }
0x2d: {  	[sflag:s13] =	ssyncadd.s32 $0xFFFFC000  }
0x2e: {  	[spmem:s10] =	stream.linear.scatter [tilespmem:s14], [sflag:$0x3], $0x4000, $0x38;
	[tilespmem:$0x1EA00] =	vst v63  }
0x2f: {  	_ =	swait.ge [sflag:s13], $0x4000  }
0x30: {  	[sflag:s13] =	ssyncset.done $0x0  }
0x31: {  	[sflag:s13] =	ssyncadd.s32 $0xFFFFC000  }
0x32: {  	[spmem:s11] =	stream.linear.scatter [tilespmem:s14], [sflag:$0x3], $0x4000, $0x38;
	[tilespmem:$0x1EA00] =	vst v63  }
0x33: {  	_ =	swait.ge [sflag:s13], $0x4000  }
0x34: {  	[sflag:s13] =	ssyncset.done $0x0  }
0x35: {  	[sflag:s13] =	ssyncadd.s32 $0xFFFFC000  }
0x36: {  	[spmem:s12] =	stream.linear.scatter [tilespmem:s14], [sflag:$0x3], $0x4000, $0x38;
	[tilespmem:$0x1EA00] =	vst v63  }
0x37: {  	_ =	swait.ge [sflag:s13], $0x4000  }
0x38: {  	[sflag:s13] =	ssyncset.done $0x0  }
0x39: {  	[sflag:s13] =	ssyncadd.s32 $0xFFFFC000  }
0x3a: {  	[bflag:$0x0] =	sbarrier.arrive $0xFFFF  }
0x3b: {  	v1 =	vld [tilespmem:$0x0];
	_ =	sdelay $0x1  }
0x3c: {  	v2 =	vld [tilespmem:$0x10];
	_ =	sdelay $0x1  }
0x3d: {  	v3 =	vld [tilespmem:$0x20]  }
0x3e: {  	v4 =	vand.u32 $0xFFFF, v1  }
0x3f: {  	v62 =	vld [tilespmem:$0x30];
	v1 =	vshrl.u32 v1, $0x10;
	[tilespmem:$0x2800] =	vst v4  }
0x40: {  	[tilespmem:$0x2900] =	vst v1;
	v1 =	vand.u32 $0xFFFF, v2  }
0x41: {  	[tilespmem:$0x2810] =	vst v1;
	v1 =	vshrl.u32 v2, $0x10;
	v2 =	vld [tilespmem:$0x40]  }
0x42: {  	[tilespmem:$0x2910] =	vst v1;
	v1 =	vand.u32 $0xFFFF, v3  }
0x43: {  	[tilespmem:$0x2820] =	vst v1;
	v1 =	vshrl.u32 v3, $0x10;
	v3 =	vld [tilespmem:$0x50]  }
0x44: {  	[tilespmem:$0x2920] =	vst v1;
	v1 =	vand.u32 $0xFFFF, v62  }
0x45: {  	v63 =	vld [tilespmem:$0x60];
	[tilespmem:$0x2830] =	vst v1;
	v1 =	vshrl.u32 v62, $0x10  }
0x46: {  	[tilespmem:$0x2930] =	vst v1;
	v1 =	vand.u32 $0xFFFF, v2  }
0x47: {  	[tilespmem:$0x2840] =	vst v1;
	v1 =	vshrl.u32 v2, $0x10;
	v2 =	vld [tilespmem:$0x70]  }
0x48: {  	[tilespmem:$0x2940] =	vst v1;
	v1 =	vand.u32 $0xFFFF, v3  }
0x49: {  	[tilespmem:$0x2850] =	vst v1;
	v1 =	vshrl.u32 v3, $0x10  }
0x4a: {  	[tilespmem:$0x2950] =	vst v1;
	v1 =	vand.u32 $0xFFFF, v63  }
0x4b: {  	[tilespmem:$0x2860] =	vst v1;
	v1 =	vshrl.u32 v63, $0x10  }
0x4c: {  	[tilespmem:$0x2960] =	vst v1;
	v1 =	vand.u32 $0xFFFF, v2  }
0x4d: {  	[tilespmem:$0x2870] =	vst v1;
	v1 =	vshrl.u32 v2, $0x10  }
0x4e: {  	[tilespmem:$0x2970] =	vst v1  }
0x4f: {  	[tilespmem:s14], [sflag:$0x1] =	stream.indirect.gather [hbm4b:s1+s15], $0x80, s16, s15, $0xb8;
	[tilespmem:$0x1EA00] =	vst v63  }
0x50: {  	_ =	swait.ge [sflag:s17], $0x4000  }
0x51: {  	[sflag:s17] =	ssyncset.done $0x0  }
0x52: {  	s28 =	simm.s32 $0x0;
	[sflag:s17] =	ssyncadd.s32 $0xFFFFC000  }
0x53: {  	v1 =	vld [tilespmem:s28+$0x80];
	_ =	sdelay $0x4  }
0x54: {  	v2 =	vand.u32 $0xFFFF, v1  }
0x55: {  	v1 =	vshrl.u32 v1, $0x10;
	[tilespmem:$0x2880] =	vst v2  }
0x56: {  	[tilespmem:$0x2980] =	vst v1  }
0x57: {  	v1 =	vld [tilespmem:s28+$0x90];
	_ =	sdelay $0x4  }
0x58: {  	v2 =	vand.u32 $0xFFFF, v1  }
0x59: {  	v1 =	vshrl.u32 v1, $0x10;
	[tilespmem:$0x2890] =	vst v2  }
0x5a: {  	[tilespmem:$0x2990] =	vst v1  }
0x5b: {  	v1 =	vld [tilespmem:s28+$0xA0];
	_ =	sdelay $0x4  }
0x5c: {  	v2 =	vand.u32 $0xFFFF, v1  }
0x5d: {  	v1 =	vshrl.u32 v1, $0x10;
	[tilespmem:$0x28A0] =	vst v2  }
0x5e: {  	[tilespmem:$0x29A0] =	vst v1  }
0x5f: {  	v1 =	vld [tilespmem:s28+$0xB0];
	_ =	sdelay $0x4  }
0x60: {  	v2 =	vand.u32 $0xFFFF, v1  }
0x61: {  	v1 =	vshrl.u32 v1, $0x10;
	[tilespmem:$0x28B0] =	vst v2  }
0x62: {  	[tilespmem:$0x29B0] =	vst v1  }
0x63: {  	v1 =	vld [tilespmem:s28+$0xC0];
	_ =	sdelay $0x4  }
0x64: {  	v2 =	vand.u32 $0xFFFF, v1  }
0x65: {  	v1 =	vshrl.u32 v1, $0x10;
	[tilespmem:$0x28C0] =	vst v2  }
0x66: {  	[tilespmem:$0x29C0] =	vst v1  }
0x67: {  	v1 =	vld [tilespmem:s28+$0xD0];
	_ =	sdelay $0x4  }
0x68: {  	v2 =	vand.u32 $0xFFFF, v1  }
0x69: {  	v1 =	vshrl.u32 v1, $0x10;
	[tilespmem:$0x28D0] =	vst v2  }
0x6a: {  	[tilespmem:$0x29D0] =	vst v1  }
0x6b: {  	v1 =	vld [tilespmem:s28+$0xE0];
	_ =	sdelay $0x4  }
0x6c: {  	v2 =	vand.u32 $0xFFFF, v1  }
0x6d: {  	v1 =	vshrl.u32 v1, $0x10;
	[tilespmem:$0x28E0] =	vst v2  }
0x6e: {  	[tilespmem:$0x29E0] =	vst v1  }
0x6f: {  	v1 =	vld [tilespmem:s28+$0xF0];
	_ =	sdelay $0x4  }
0x70: {  	v2 =	vand.u32 $0xFFFF, v1  }
0x71: {  	v1 =	vshrl.u32 v1, $0x10;
	[tilespmem:$0x28F0] =	vst v2  }
0x72: {  	[tilespmem:$0x29F0] =	vst v1  }
0x73: {  	[tilespmem:s19], [sflag:$0x2] =	stream.indirect.gather [hbm4b:s1+s15], $0x80, s18, s15, $0xb8;
	[tilespmem:$0x1EA00] =	vst v63  }
0x74: {  	_ = 	snop  }
0x75: {  	[spmem:s2] =	stream.indirect.scatter.add.f32 [tilespmem:s14], [sflag:$0x3], $0x80, s20, s15, $0xb8;
	[tilespmem:$0x1EA00] =	vst v63  }
0x76: {  	_ =	swait.ge [sflag:s13], $0x4000  }
0x77: {  	[sflag:s13] =	ssyncset.done $0x0  }
0x78: {  	[sflag:s13] =	ssyncadd.s32 $0xFFFFC000  }
0x79: {  	_ =	swait.ge [sflag:s21], $0x4000  }
0x7a: {  	p1 =	por $0x0, $0x0;
	[sflag:s21] =	ssyncset.done $0x0  }
0x7b: {  	s26 =	simm.s32 @!p1 $0x0;
	[sflag:s21] =	ssyncadd.s32 $0xFFFFC000  }
0x7c: {  	v1 =	vld @!p1 [tilespmem:s26+$0x100];
	_ =	sdelay $0x4  }
0x7d: {  	v2 =	vand.u32 @!p1 $0xFFFF, v1  }
0x7e: {  	v1 =	vshrl.u32 @!p1 v1, $0x10;
	[tilespmem:$0x2800] =	vst @!p1 v2  }
0x7f: {  	[tilespmem:$0x2900] =	vst @!p1 v1  }
0x80: {  	v1 =	vld @!p1 [tilespmem:s26+$0x110];
	_ =	sdelay $0x4  }
0x81: {  	v2 =	vand.u32 @!p1 $0xFFFF, v1  }
0x82: {  	v1 =	vshrl.u32 @!p1 v1, $0x10;
	[tilespmem:$0x2810] =	vst @!p1 v2  }
0x83: {  	[tilespmem:$0x2910] =	vst @!p1 v1  }
0x84: {  	v1 =	vld @!p1 [tilespmem:s26+$0x120];
	_ =	sdelay $0x4  }
0x85: {  	v2 =	vand.u32 @!p1 $0xFFFF, v1  }
0x86: {  	v1 =	vshrl.u32 @!p1 v1, $0x10;
	[tilespmem:$0x2820] =	vst @!p1 v2  }
0x87: {  	[tilespmem:$0x2920] =	vst @!p1 v1  }
0x88: {  	v1 =	vld @!p1 [tilespmem:s26+$0x130];
	_ =	sdelay $0x4  }
0x89: {  	v2 =	vand.u32 @!p1 $0xFFFF, v1  }
0x8a: {  	v1 =	vshrl.u32 @!p1 v1, $0x10;
	[tilespmem:$0x2830] =	vst @!p1 v2  }
0x8b: {  	[tilespmem:$0x2930] =	vst @!p1 v1  }
0x8c: {  	v1 =	vld @!p1 [tilespmem:s26+$0x140];
	_ =	sdelay $0x4  }
0x8d: {  	v2 =	vand.u32 @!p1 $0xFFFF, v1  }
0x8e: {  	v1 =	vshrl.u32 @!p1 v1, $0x10;
	[tilespmem:$0x2840] =	vst @!p1 v2  }
0x8f: {  	[tilespmem:$0x2940] =	vst @!p1 v1  }
0x90: {  	v1 =	vld @!p1 [tilespmem:s26+$0x150];
	_ =	sdelay $0x4  }
0x91: {  	v2 =	vand.u32 @!p1 $0xFFFF, v1  }
0x92: {  	v1 =	vshrl.u32 @!p1 v1, $0x10;
	[tilespmem:$0x2850] =	vst @!p1 v2  }
0x93: {  	s25 =	simm.s32 $0x400;
	[tilespmem:$0x2950] =	vst @!p1 v1  }
0x94: {  	s29 =	simm.s32 @!p1 $0x80;
	s30 =	simm.s32 @!p1 $0x2800;
	s31 =	simm.s32 @!p1 $0x2A00;
	v1 =	vld @!p1 [tilespmem:s26+$0x160]  }
.LBB2_4:
0x95: {  	_ =	sdelay $0x3  }
0x96: {  	s28 =	smov.u32 s25;
	s25 =	sadd.s32 $0x400, s25;
	v2 =	vand.u32 @!p1 $0xFFFF, v1;
	v1 =	vshrl.u32 @!p1 v1, $0x10  }
0x97: {  	p0 =	sne.s32 s25, $0xA000;
	[tilespmem:$0x2860] =	vst @!p1 v2  }
0x98: {  	[tilespmem:$0x2960] =	vst @!p1 v1  }
0x99: {  	v1 =	vld @!p1 [tilespmem:s26+$0x170];
	_ =	sdelay $0x4  }
0x9a: {  	v2 =	vand.u32 @!p1 $0xFFFF, v1;
	v1 =	vshrl.u32 @!p1 v1, $0x10  }
0x9b: {  	[tilespmem:$0x2870] =	vst @!p1 v2  }
0x9c: {  	[tilespmem:$0x2970] =	vst @!p1 v1  }
0x9d: {  	[tilespmem:s31], [sflag:$0x1] =	stream.indirect.gather @!p1 [hbm4b:s1+s29], $0x80, s30, s29, $0xb8;
	[tilespmem:$0x1EA00] =	vst v63  }
0x9e: {  	_ = 	snop  }
0x9f: {  	[spmem:s2] =	stream.indirect.scatter.add.f32 [tilespmem:s19], [sflag:$0x3], $0x80, s22, s15, $0xb8;
	[tilespmem:$0x1EA00] =	vst v63  }
0xa0: {  	_ =	swait.ge [sflag:s13], $0x4000  }
0xa1: {  	[sflag:s13] =	ssyncset.done $0x0  }
0xa2: {  	[sflag:s13] =	ssyncadd.s32 $0xFFFFC000  }
0xa3: {  	_ =	swait.ge [sflag:s17], $0x4000  }
0xa4: {  	[sflag:s17] =	ssyncset.done $0x0  }
0xa5: {  	s26 =	sshra.s32 s28, $0x2;
	[sflag:s17] =	ssyncadd.s32 $0xFFFFC000  }
0xa6: {  	v1 =	vld [tilespmem:s26+$0x80];
	_ =	sdelay $0x4  }
0xa7: {  	v2 =	vand.u32 $0xFFFF, v1;
	v1 =	vshrl.u32 v1, $0x10  }
0xa8: {  	[tilespmem:$0x2880] =	vst v2  }
0xa9: {  	[tilespmem:$0x2980] =	vst v1  }
0xaa: {  	v1 =	vld [tilespmem:s26+$0x90];
	_ =	sdelay $0x4  }
0xab: {  	v2 =	vand.u32 $0xFFFF, v1;
	v1 =	vshrl.u32 v1, $0x10  }
0xac: {  	[tilespmem:$0x2890] =	vst v2  }
0xad: {  	[tilespmem:$0x2990] =	vst v1  }
0xae: {  	v1 =	vld [tilespmem:s26+$0xA0];
	_ =	sdelay $0x4  }
0xaf: {  	v2 =	vand.u32 $0xFFFF, v1;
	v1 =	vshrl.u32 v1, $0x10  }
0xb0: {  	[tilespmem:$0x28A0] =	vst v2  }
0xb1: {  	[tilespmem:$0x29A0] =	vst v1  }
0xb2: {  	v1 =	vld [tilespmem:s26+$0xB0];
	_ =	sdelay $0x4  }
0xb3: {  	v2 =	vand.u32 $0xFFFF, v1;
	v1 =	vshrl.u32 v1, $0x10  }
0xb4: {  	[tilespmem:$0x28B0] =	vst v2  }
0xb5: {  	[tilespmem:$0x29B0] =	vst v1  }
0xb6: {  	v1 =	vld [tilespmem:s26+$0xC0];
	_ =	sdelay $0x4  }
0xb7: {  	v2 =	vand.u32 $0xFFFF, v1;
	v1 =	vshrl.u32 v1, $0x10  }
0xb8: {  	[tilespmem:$0x28C0] =	vst v2  }
0xb9: {  	[tilespmem:$0x29C0] =	vst v1  }
0xba: {  	v1 =	vld [tilespmem:s26+$0xD0];
	_ =	sdelay $0x4  }
0xbb: {  	v2 =	vand.u32 $0xFFFF, v1;
	v1 =	vshrl.u32 v1, $0x10  }
0xbc: {  	[tilespmem:$0x28D0] =	vst v2  }
0xbd: {  	[tilespmem:$0x29D0] =	vst v1  }
0xbe: {  	v1 =	vld [tilespmem:s26+$0xE0];
	_ =	sdelay $0x4  }
0xbf: {  	v2 =	vand.u32 $0xFFFF, v1;
	v1 =	vshrl.u32 v1, $0x10  }
0xc0: {  	[tilespmem:$0x28E0] =	vst v2  }
0xc1: {  	[tilespmem:$0x29E0] =	vst v1  }
0xc2: {  	v1 =	vld [tilespmem:s26+$0xF0];
	_ =	sdelay $0x4  }
0xc3: {  	v2 =	vand.u32 $0xFFFF, v1;
	v1 =	vshrl.u32 v1, $0x10  }
0xc4: {  	p1 =	seq.s32 s28, $0x9C00;
	[tilespmem:$0x28F0] =	vst v2  }
0xc5: {  	s26 =	sshra.s32 @!p1 s28, $0x2;
	[tilespmem:$0x29F0] =	vst v1  }
0xc6: {  	[tilespmem:s19], [sflag:$0x2] =	stream.indirect.gather [hbm4b:s1+s15], $0x80, s18, s15, $0xb8;
	[tilespmem:$0x1EA00] =	vst v63  }
0xc7: {  	_ = 	snop  }
0xc8: {  	[spmem:s2] =	stream.indirect.scatter.add.f32 [tilespmem:s14], [sflag:$0x3], $0x80, s20, s15, $0xb8;
	[tilespmem:$0x1EA00] =	vst v63  }
0xc9: {  	_ =	swait.ge [sflag:s13], $0x4000  }
0xca: {  	[sflag:s13] =	ssyncset.done $0x0  }
0xcb: {  	[sflag:s13] =	ssyncadd.s32 $0xFFFFC000  }
0xcc: {  	_ =	swait.ge [sflag:s21], $0x4000  }
0xcd: {  	[sflag:s21] =	ssyncset.done $0x0  }
0xce: {  	[sflag:s21] =	ssyncadd.s32 $0xFFFFC000  }
0xcf: {  	v1 =	vld @!p1 [tilespmem:s26+$0x100];
	_ =	sdelay $0x4  }
0xd0: {  	v2 =	vand.u32 @!p1 $0xFFFF, v1;
	v1 =	vshrl.u32 @!p1 v1, $0x10  }
0xd1: {  	[tilespmem:$0x2800] =	vst @!p1 v2  }
0xd2: {  	[tilespmem:$0x2900] =	vst @!p1 v1  }
0xd3: {  	v1 =	vld @!p1 [tilespmem:s26+$0x110];
	_ =	sdelay $0x4  }
0xd4: {  	v2 =	vand.u32 @!p1 $0xFFFF, v1;
	v1 =	vshrl.u32 @!p1 v1, $0x10  }
0xd5: {  	[tilespmem:$0x2810] =	vst @!p1 v2  }
0xd6: {  	[tilespmem:$0x2910] =	vst @!p1 v1  }
0xd7: {  	v1 =	vld @!p1 [tilespmem:s26+$0x120];
	_ =	sdelay $0x4  }
0xd8: {  	v2 =	vand.u32 @!p1 $0xFFFF, v1;
	v1 =	vshrl.u32 @!p1 v1, $0x10  }
0xd9: {  	[tilespmem:$0x2820] =	vst @!p1 v2  }
0xda: {  	[tilespmem:$0x2920] =	vst @!p1 v1  }
0xdb: {  	v1 =	vld @!p1 [tilespmem:s26+$0x130];
	_ =	sdelay $0x4  }
0xdc: {  	v2 =	vand.u32 @!p1 $0xFFFF, v1;
	v1 =	vshrl.u32 @!p1 v1, $0x10  }
0xdd: {  	[tilespmem:$0x2830] =	vst @!p1 v2  }
0xde: {  	[tilespmem:$0x2930] =	vst @!p1 v1  }
0xdf: {  	v1 =	vld @!p1 [tilespmem:s26+$0x140];
	_ =	sdelay $0x4  }
0xe0: {  	v2 =	vand.u32 @!p1 $0xFFFF, v1;
	v1 =	vshrl.u32 @!p1 v1, $0x10  }
0xe1: {  	[tilespmem:$0x2840] =	vst @!p1 v2  }
0xe2: {  	[tilespmem:$0x2940] =	vst @!p1 v1  }
0xe3: {  	v1 =	vld @!p1 [tilespmem:s26+$0x150];
	_ =	sdelay $0x3  }
.Ltmp1:
0xe4: {  	(pc) =	sbr.rel @p0 .LBB2_4-.Ltmp1, $4  }
0xe5: {  	v2 =	vand.u32 @!p1 $0xFFFF, v1;
	v1 =	vshrl.u32 @!p1 v1, $0x10  }
0xe6: {  	[tilespmem:$0x2850] =	vst @!p1 v2  }
0xe7: {  	s29 =	simm.s32 @!p1 $0x80;
	s30 =	simm.s32 @!p1 $0x2800;
	s31 =	simm.s32 @!p1 $0x2A00;
	[tilespmem:$0x2950] =	vst @!p1 v1  }
0xe8: {  	v1 =	vld @!p1 [tilespmem:s26+$0x160]  }
0xe9: {  	_ =	sdelay $0x3  }
0xea: {  	v2 =	vand.u32 @!p1 $0xFFFF, v1  }
0xeb: {  	v1 =	vshrl.u32 @!p1 v1, $0x10;
	[tilespmem:$0x2860] =	vst @!p1 v2  }
0xec: {  	[tilespmem:$0x2960] =	vst @!p1 v1  }
0xed: {  	v1 =	vld @!p1 [tilespmem:s26+$0x170];
	_ =	sdelay $0x4  }
0xee: {  	v2 =	vand.u32 @!p1 $0xFFFF, v1  }
0xef: {  	v1 =	vshrl.u32 @!p1 v1, $0x10;
	[tilespmem:$0x2870] =	vst @!p1 v2  }
0xf0: {  	[tilespmem:$0x2970] =	vst @!p1 v1  }
0xf1: {  	[tilespmem:s31], [sflag:$0x1] =	stream.indirect.gather @!p1 [hbm4b:s1+s29], $0x80, s30, s29, $0xb8;
	[tilespmem:$0x1EA00] =	vst v63  }
0xf2: {  	_ = 	snop  }
0xf3: {  	[spmem:s2] =	stream.indirect.scatter.add.f32 [tilespmem:s19], [sflag:$0x3], $0x80, s22, s15, $0xb8;
	[tilespmem:$0x1EA00] =	vst v63  }
0xf4: {  	_ =	swait.ge [sflag:s13], $0x4000  }
0xf5: {  	s24 =	sadd.s32 $0x1, s24;
	[sflag:s13] =	ssyncset.done $0x0  }
0xf6: {  	p0 =	sne.s32 s24, s8;
	[sflag:s13] =	ssyncadd.s32 $0xFFFFC000  }
.Ltmp2:
0xf7: {  	s25 =	sshrl.u32 s6, $0x3;
	[bflag:$0x0] =	sbarrier.arrive $0xFFFF;
	(pc) =	sbr.rel @p0 .LBB2_1-.Ltmp2, $4  }
0xf8: {  	[hbm:s7], [sflag:s23] =	dma.local [spmem:s25], $0x2800  }
0xf9: {  	_ =	swait.ge [sflag:s13], $0x2800  }
0xfa: {  	[sflag:s13] =	ssyncset.done $0x0  }
0xfb: {  	[sflag:s13] =	ssyncadd.s32 $0xFFFFD800  }
0xfc: {  	_ =	sfence.sel $0x180000  }
0xfd: {  	[bflag:$0x0] =	sbarrier.arrive $0xFFFF  }
0xfe: {  	p0 =	sne.s32 s3, $0x0;
	_ =	strace $0x9000004D  }
0xff: {  	s0 =	sadd.s32 @!p0 $0x100000, s0;
	[bflag:$0x2] =	sbarrier.arrive $0xFFFF  }
0x100: {  	[sflag:s0] =	ssyncadd.tile.s32 @!p0 $0x1;
	_ =	shalt  }
.Lfunc_end2:
_tile_overlayer_lowered:
.L_overlay_start_2:
0x101: {  	(tag) =	ssettag $0x2  }
0x102: {  	s0 =	rddreg [dreg:$0x0];
	s2 =	stileid.u32  }
0x103: {  	s1 =	rddreg [dreg:$0x1];
	p0 =	sne.s32 s2, $0x0  }
0x104: {  	s3 =	rddreg [dreg:$0x2];
	[bflag:$0x3] =	sbarrier.arrive $0xFFFF;
	s2 =	simm.s32 @!p0 $0x1C03  }
0x105: {  	[timem:s3], [sflag:s2] =	dma.local @!p0 [hbm:s0], s1  }
0x106: {  	s0 =	simm.s32 @!p0 $0x3  }
0x107: {  	_ =	swait.ge @!p0 [sflag:s0], s1  }
0x108: {  	s1 =	ssub.s32 @!p0 $0x0, s1;
	[sflag:s0] =	ssyncset.done @!p0 $0x0  }
0x109: {  	[sflag:s0] =	ssyncadd.s32 @!p0 s1  }
0x10a: {  	[bflag:$0x3] =	sbarrier.arrive $0xFFFF  }
0x10b: {  	_ =	shalt  }

// kernel: kernel.8.cloned.1.call-start
scs
__scs_entry_jumppad:
0x0: {  	(pc) =	sbr.rel $0x88, $3  }
0x1: {  	(tag) =	ssettag $0x0;
	lr =	simm.s32 $0x1  }
0x2: {  	[smem:$0x3F9B] =	sst lr;
	_ =	strace $0xD0000000  }
0x3: {  	_ = 	snop  }
0x4: {  	_ = 	snop  }
0x5: {  	_ = 	snop  }
0x6: {  	_ = 	snop  }
0x7: {  	_ = 	snop  }
__scs_overlays_trampoline_lowered:
0x8: {  	[smem:$0x3FAA] =	sst s0  }
0x9: {  	[smem:$0x3FAB] =	sst s1  }
0xa: {  	[smem:$0x3FAC] =	sst s2  }
0xb: {  	[smem:$0x3FAD] =	sst s3  }
0xc: {  	[smem:$0x3FAE] =	sst s4  }
0xd: {  	[smem:$0x3FAF] =	sst s5  }
0xe: {  	[smem:$0x3FB0] =	sst s6  }
0xf: {  	[smem:$0x3FB1] =	sst s7  }
0x10: {  	[smem:$0x3FB2] =	sst s8  }
0x11: {  	[smem:$0x3FB3] =	sst s9;
	s0 =	simm.s32 @!p0 $0x0  }
0x12: {  	s1 =	sld [smem:$0x3F99];
	s0 =	simm.s32 @p0 $0x1  }
0x13: {  	[smem:$0x3FB4] =	sst s0;
	s0 =	simm.s32 @!p1 $0x0  }
0x14: {  	s2 =	sld [smem:$0x3F98];
	s0 =	simm.s32 @p1 $0x1  }
0x15: {  	[smem:$0x3FB5] =	sst s0;
	s0 =	simm.s32 @!p2 $0x0  }
0x16: {  	s3 =	sld [smem:$0x3FDB];
	s0 =	simm.s32 @p2 $0x1  }
0x17: {  	s4 =	simm.s32 $0x1BF5;
	[smem:$0x3FB7] =	sst s0  }
0x18: {  	s0 =	sld [smem:$0x3F9A];
	_ =	swait.ge [sflag:s4], $0x0  }
0x19: {  	s7 =	sld [smem:$0x3F9B]  }
0x1a: {  	s8 =	sadd.s32 $0xFFFFE003, lr  }
0x1b: {  	s9 =	sadd.s32 $0xFFFFFEF7, lr;
	s5 =	simm.s32 $0xFFFFFFFF;
	p2 =	slt.u32 s8, $0xFFFFF086  }
0x1c: {  	p1 =	slt.u32 s9, $0xF7A;
	s5 =	simm.s32 @!p2 $0x0  }
0x1d: {  	s5 =	simm.s32 @p1 $0x1;
	p0 =	seq.s32 s7, s2  }
0x1e: {  	s7 =	smul.u32 @!p0 $0xF7A, s2;
	p2 =	seq.s32 @!p0 s5, $0x0  }
0x1f: {  	s9 =	smul.u32 $0xF7A, s1;
	s8 =	simm.s32 @!p0 $0x1BF5;
	p2 =	por !p2, p0  }
0x20: {  	[sflag:s8] =	ssyncset.s32 @!p0 $0xFFFFF086;
	s6 =	sadd.s32 @!p0 s3, s7;
	s7 =	simm.s32 @!p0 $0x108  }
0x21: {  	s3 =	sadd.s32 s3, s9;
	s6 =	sadd.s32 @!p0 $0x88, s6;
	s7 =	simm.s32 @p2 $0x1082  }
0x22: {  	[simem:s7], [sflag:s8] =	dma.local @!p0 [hbm:s6], $0xF7A  }
0x23: {  	s9 =	sor.u32 $0xD0000000, s2;
	s6 =	simm.s32 $0x108;
	_ =	swait.ge @!p0 [sflag:s8], $0x0  }
0x24: {  	s3 =	sadd.s32 $0x88, s3;
	s6 =	simm.s32 @!p1 $0x1082;
	[sflag:s4] =	ssyncset.s32 $0xFFFFF086  }
0x25: {  	[simem:s6], [sflag:s4] =	dma.local [hbm:s3], $0xF7A  }
0x26: {  	[smem:$0x3F9B] =	sst s1;
	(tag) =	ssettag s2;
	_ =	strace s9  }
0x27: {  	s1 =	sld [smem:$0x3FAB]  }
0x28: {  	s2 =	sld [smem:$0x3FAC]  }
0x29: {  	s4 =	sld [smem:$0x3FAE]  }
0x2a: {  	p0 =	seq.s32 s5, $0x0;
	s5 =	sld [smem:$0x3FAF]  }
0x2b: {  	s6 =	sld [smem:$0x3FB0]  }
0x2c: {  	s7 =	sld [smem:$0x3FB1]  }
0x2d: {  	s3 =	simm.s32 $0x108;
	s8 =	sld [smem:$0x3FB2]  }
0x2e: {  	s3 =	simm.s32 @!p0 $0x1082;
	s9 =	sld [smem:$0x3FB3]  }
0x2f: {  	lr =	sadd.s32 s0, s3;
	s0 =	sld [smem:$0x3FAA]  }
0x30: {  	s3 =	sld [smem:$0x3FAD]  }
0x31: {  	[smem:$0x3FB6] =	sst s10  }
0x32: {  	s10 =	sld [smem:$0x3FB4];
	_ =	sdelay $0x3  }
0x33: {  	p0 =	seq.s32 s10, $0x1;
	s10 =	sld [smem:$0x3FB6];
	_ =	sdelay $0x3  }
0x34: {  	[smem:$0x3FB6] =	sst s10  }
0x35: {  	s10 =	sld [smem:$0x3FB5];
	_ =	sdelay $0x3  }
0x36: {  	p1 =	seq.s32 s10, $0x1;
	s10 =	sld [smem:$0x3FB6];
	_ =	sdelay $0x3  }
0x37: {  	[smem:$0x3FB6] =	sst s10  }
0x38: {  	s10 =	sld [smem:$0x3FB7]  }
0x39: {  	_ = 	snop;
	(pc) =	sbr.ind lr, $3  }
0x3a: {  	_ = 	snop  }
0x3b: {  	_ = 	snop  }
0x3c: {  	p2 =	seq.s32 s10, $0x1;
	s10 =	sld [smem:$0x3FB6]  }
0x3d: {  	_ =	shalt  }
0x3e: {  	_ =	shalt  }
0x3f: {  	_ =	shalt  }
0x40: {  	_ =	shalt  }
0x41: {  	_ =	shalt  }
0x42: {  	_ =	shalt  }
0x43: {  	_ =	shalt  }
0x44: {  	_ =	shalt  }
0x45: {  	_ =	shalt  }
0x46: {  	_ =	shalt  }
0x47: {  	_ =	shalt  }
0x48: {  	_ =	shalt  }
0x49: {  	_ =	shalt  }
0x4a: {  	_ =	shalt  }
0x4b: {  	_ =	shalt  }
0x4c: {  	_ =	shalt  }
0x4d: {  	_ =	shalt  }
0x4e: {  	_ =	shalt  }
0x4f: {  	_ =	shalt  }
0x50: {  	_ =	shalt  }
0x51: {  	_ =	shalt  }
0x52: {  	_ =	shalt  }
0x53: {  	_ =	shalt  }
0x54: {  	_ =	shalt  }
0x55: {  	_ =	shalt  }
0x56: {  	_ =	shalt  }
0x57: {  	_ =	shalt  }
0x58: {  	_ =	shalt  }
0x59: {  	_ =	shalt  }
0x5a: {  	_ =	shalt  }
0x5b: {  	_ =	shalt  }
0x5c: {  	_ =	shalt  }
0x5d: {  	_ =	shalt  }
0x5e: {  	_ =	shalt  }
0x5f: {  	_ =	shalt  }
0x60: {  	_ =	shalt  }
0x61: {  	_ =	shalt  }
0x62: {  	_ =	shalt  }
0x63: {  	_ =	shalt  }
0x64: {  	_ =	shalt  }
0x65: {  	_ =	shalt  }
0x66: {  	_ =	shalt  }
0x67: {  	_ =	shalt  }
0x68: {  	_ =	shalt  }
0x69: {  	_ =	shalt  }
0x6a: {  	_ =	shalt  }
0x6b: {  	_ =	shalt  }
0x6c: {  	_ =	shalt  }
0x6d: {  	_ =	shalt  }
0x6e: {  	_ =	shalt  }
0x6f: {  	_ =	shalt  }
0x70: {  	_ =	shalt  }
0x71: {  	_ =	shalt  }
0x72: {  	_ =	shalt  }
0x73: {  	_ =	shalt  }
0x74: {  	_ =	shalt  }
0x75: {  	_ =	shalt  }
0x76: {  	_ =	shalt  }
0x77: {  	_ =	shalt  }
0x78: {  	_ =	shalt  }
0x79: {  	_ =	shalt  }
0x7a: {  	_ =	shalt  }
0x7b: {  	_ =	shalt  }
0x7c: {  	_ =	shalt  }
0x7d: {  	_ =	shalt  }
0x7e: {  	_ =	shalt  }
0x7f: {  	_ =	shalt  }
0x80: {  	_ =	shalt  }
0x81: {  	_ =	shalt  }
0x82: {  	_ =	shalt  }
0x83: {  	_ =	shalt  }
0x84: {  	_ =	shalt  }
0x85: {  	_ =	shalt  }
0x86: {  	_ =	shalt  }
0x87: {  	_ =	shalt  }
.Lfunc_end0:
.L_simem_size_0:
called_computation_lowered:
.L_overlay_start_0:
0x88: {  	s2 =	sld [smem:$0x3FD9]  }
0x89: {  	s3 =	sld [smem:$0x3FFE];
	_ =	sdelay $0x1  }
0x8a: {  	s1 =	srdreg.scid  }
0x8b: {  	s0 =	sand.u32 $0x1, s1  }
0x8c: {  	s16 =	sshll.u32 s0, $0xA;
	s2 =	sadd.s32 s3, s2  }
0x8d: {  	s2 =	sadd.s32 s2, s16  }
0x8e: {  	[smem:$0x3FC2] =	sst s2  }
0x8f: {  	_ = 	snop  }
0x90: {  	(tm) =	ssettm $0x1  }
0x91: {  	s17 =	sld [smem:$0x3FFB];
	_ =	sdelay $0x3  }
0x92: {  	_ =	strace s17  }
0x93: {  	s2 =	sld [smem:$0x3FFC];
	_ =	sdelay $0x3  }
0x94: {  	_ =	strace s2  }
0x95: {  	s2 =	sld [smem:$0x3FFD];
	_ =	sdelay $0x3  }
0x96: {  	_ =	strace s2  }
0x97: {  	_ =	strace $0x8FFFFFFF  }
0x98: {  	s18 =	sld [smem:$0x3FDB];
	_ =	sdelay $0x1  }
0x99: {  	s19 =	simm.s32 $_scs_section_size  }
0x9a: {  	s4 =	simm.s32 $_size__tile_overlayer_lowered;
	s5 =	simm.s32 $_tile_overlayer_lowered  }
0x9b: {  	s22 =	simm.s32 $0x1BFF;
	s21 =	sshll.u32 s5, $0x1;
	s2 =	sadd.s32 s19, s18  }
0x9c: {  	s6 =	simm.s32 $0x0;
	s20 =	sshll.u32 s4, $0x1;
	s4 =	sadd.s32 s21, s2  }
0x9d: {  	[timem:s6], [sflag:s22] =	dma.local [hbm:s4], s20  }
0x9e: {  	_ =	swait.ge [sflag:s22], s20  }
0x9f: {  	s3 =	ssub.s32 $0x0, s20;
	[sflag:s22] =	ssyncset.done $0x0  }
0xa0: {  	[sflag:s22] =	ssyncadd.s32 s3;
	_ =	sdelay $0x1  }
0xa1: {  	s23 =	simm.s32 $0x1B8B  }
0xa2: {  	_ =	swait.ge [sflag:s23], $0x1  }
0xa3: {  	[sflag:s23] =	ssyncset.done $0x0  }
0xa4: {  	s25 =	simm.s32 $0x1B8E;
	s24 =	sld [smem:$0x3FFE];
	[sflag:s23] =	ssyncadd.s32 $0xFFFFFFFF  }
0xa5: {  	s26 =	simm.s32 $execute0_lowered;
	[smem:$0x3FD2] =	sst s25  }
0xa6: {  	s4 =	sshll.u32 s26, $0x1;
	_ =	strace $0x80000046;
	[dreg:$0x1] =	wrdreg $0xFFFFFFFF  }
0xa7: {  	s28 =	simm.s32 $_size_execute0_lowered;
	s2 =	sadd.s32 s2, s4;
	[dreg:$0x0] =	wrdreg $0x0  }
0xa8: {  	s4 =	sshll.u32 s28, $0x1;
	[dreg:$0x2] =	wrdreg s2  }
0xa9: {  	[dreg:$0x3] =	wrdreg s4  }
0xaa: {  	[dreg:$0x4] =	wrdreg $0xC0  }
0xab: {  	_ =	task [dreg:s6], $0x5FFFF  }
0xac: {  	[dreg:$0x1] =	wrdreg $0xFFFFFFFF  }
0xad: {  	[dreg:$0x0] =	wrdreg $0x60  }
0xae: {  	[dreg:$0x2] =	wrdreg s24  }
0xaf: {  	[dreg:$0x3] =	wrdreg $0x68800  }
0xb0: {  	[dreg:$0x4] =	wrdreg $0x9  }
0xb1: {  	_ =	task.clear_ibuf [dreg:s6], $0x5FFFF;
	_ =	strace $0x90000046  }
0xb2: {  	s29 =	simm.s32 $0x9;
	_ =	strace $0x80000048  }
0xb3: {  	_ =	swait.ge [sflag:s29], $0x1  }
0xb4: {  	[sflag:s29] =	ssyncadd.s32 $0xFFFFFFFF  }
0xb5: {  	_ =	strace $0x90000048  }
0xb6: {  	_ =	sfence  }
0xb7: {  	s30 =	sld [smem:$0x0];
	_ =	sdelay $0x2  }
0xb8: {  	s31 =	sshll.u32 s1, $0xD;
	s1 =	sshrl.u32 s1, $0x2  }
0xb9: {  	s3 =	sand.u32 $0x4000, s31;
	s1 =	sadd.s32 s1, s30  }
0xba: {  	s0 =	sor.u32 s3, s0;
	s1 =	sshll.u32 s1, $0x11  }
0xbb: {  	s0 =	sor.u32 s1, s0  }
0xbc: {  	s0 =	sadd.s32 $0x8F2B, s0  }
0xbd: {  	[sflag:s0] =	ssyncadd.remote.s32 $0x1  }
0xbe: {  	_ =	sfence.sel $0xFFFF  }
0xbf: {  	[dreg:$0x0] =	wrdreg $0xFFFFFFFF;
	(pc) =	sbr.abs _section_cstart, $3  }
0xc0: {  	[dreg:$0x1] =	wrdreg $0xFFFFFFFF  }
0xc1: {  	_ =	task.clear_ibuf [dreg:s6], $0x2FFFF;
	_ =	strace $0x9FFFFFFF  }
0xc2: {  	(tm) =	ssettm $0x7FFFFFFF  }
0xc3: {  	_ =	shalt  }
tec
execute0_lowered:
.L_overlay_start_1:
0x0: {  	(tag) =	ssettag $0x1  }
0x1: {  	s4 =	rddreg [dreg:$0x0]  }
0x2: {  	s2 =	rddreg [dreg:$0x1];
	s1 =	srdreg.scid  }
0x3: {  	s0 =	rddreg [dreg:$0x2];
	s3 =	simm.s32 $0x0;
	s12 =	simm.s32 $0x1  }
0x4: {  	s13 =	simm.s32 $0x2880;
	s14 =	simm.s32 $0x80;
	s15 =	simm.s32 $0x2800  }
0x5: {  	s18 =	simm.s32 $0x0;
	s5 =	sand.u32 $0x1, s1;
	s1 =	stileid.u32  }
0x6: {  	[smem:$0x7FF] =	sst s3;
	s6 =	smul.u32 $0x140000, s5;
	s7 =	sshll.u32 s5, $0x4  }
0x7: {  	s8 =	smul.u32 $0x14000, s1;
	_ =	strace $0x80000047;
	s5 =	ssub.s32 $0x2, s5  }
0x8: {  	s29 =	smul.u32 $0x50000, s1;
	s16 =	sshll.u32 s1, $0x6;
	s7 =	sor.u32 s1, s7  }
0x9: {  	s30 =	sshrl.u32 s5, $0x1;
	s16 =	sor.u32 $0x1C01, s16;
	s7 =	smul.u32 $0x500, s7  }
0xa: {  	s6 =	sadd.s32 s8, s6;
	s9 =	ssub.s32 s5, s30;
	s31 =	sshrl.u32 s29, $0x2  }
0xb: {  	s6 =	sshrl.u32 s6, $0x3;
	s5 =	sadd.s32 s31, s2;
	s7 =	sadd.s32 s7, s4  }
0xc: {  	s6 =	sadd.s32 s6, s4;
	s8 =	sadd.s32 $0x4000, s5;
	s10 =	sadd.s32 $0xC000, s5  }
0xd: {  	s11 =	sadd.s32 $0x10000, s5;
	s17 =	sshrl.u32 s5, $0x3;
	s4 =	sadd.s32 $0x2800, s7  }
0xe: {  	v0 =	vimm.f32 $0.0e+00;
	v1 =	vimm.f32 $1.000000000e+00;
	s6 =	sadd.s32 $0xC800, s6;
	s7 =	smax.u32 s9, $0x1;
	s9 =	sadd.s32 $0x8000, s5  }
.LBB2_1:
0xf: {  	[tilespmem:s3], [sflag:$0x1] =	stream.linear.gather [hbm4b:s4+s3], $0x2800, $0x38;
	[tilespmem:$0x9080] =	vst v63  }
0x10: {  	_ =	swait.ge [sflag:s12], $0x2800  }
0x11: {  	[sflag:s12] =	ssyncset.done $0x0  }
0x12: {  	s19 =	simm.s32 $0x200;
	s20 =	simm.s32 $0x0;
	[sflag:s12] =	ssyncadd.s32 $0xFFFFD800  }
.LBB2_2:
0x13: {  	p0 =	sne.s32 s19, $0xFE00;
	[tilespmem:s20+$0x2880] =	vst v0;
	s20 =	smov.u32 s19;
	s19 =	sadd.s32 $0x200, s19  }
.Ltmp0:
0x14: {  	(pc) =	sbr.rel @p0 .LBB2_2-.Ltmp0, $2  }
0x15: {  	_ =	sdelay $0x2  }
0x16: {  	s20 =	sshra.s32 s20, $0x2  }
0x17: {  	[tilespmem:s20+$0x2880] =	vst v0  }
0x18: {  	[spmem:s5] =	stream.linear.scatter [tilespmem:s13], [sflag:$0x1], $0x4000, $0x38;
	[tilespmem:$0x9080] =	vst v63  }
0x19: {  	_ =	swait.ge [sflag:s12], $0x4000  }
0x1a: {  	[sflag:s12] =	ssyncset.done $0x0  }
0x1b: {  	[sflag:s12] =	ssyncadd.s32 $0xFFFFC000  }
0x1c: {  	[spmem:s8] =	stream.linear.scatter [tilespmem:s13], [sflag:$0x1], $0x4000, $0x38;
	[tilespmem:$0x9080] =	vst v63  }
0x1d: {  	_ =	swait.ge [sflag:s12], $0x4000  }
0x1e: {  	[sflag:s12] =	ssyncset.done $0x0  }
0x1f: {  	[sflag:s12] =	ssyncadd.s32 $0xFFFFC000  }
0x20: {  	[spmem:s9] =	stream.linear.scatter [tilespmem:s13], [sflag:$0x1], $0x4000, $0x38;
	[tilespmem:$0x9080] =	vst v63  }
0x21: {  	_ =	swait.ge [sflag:s12], $0x4000  }
0x22: {  	[sflag:s12] =	ssyncset.done $0x0  }
0x23: {  	[sflag:s12] =	ssyncadd.s32 $0xFFFFC000  }
0x24: {  	[spmem:s10] =	stream.linear.scatter [tilespmem:s13], [sflag:$0x1], $0x4000, $0x38;
	[tilespmem:$0x9080] =	vst v63  }
0x25: {  	_ =	swait.ge [sflag:s12], $0x4000  }
0x26: {  	[sflag:s12] =	ssyncset.done $0x0  }
0x27: {  	[sflag:s12] =	ssyncadd.s32 $0xFFFFC000  }
0x28: {  	[spmem:s11] =	stream.linear.scatter [tilespmem:s13], [sflag:$0x1], $0x4000, $0x38;
	[tilespmem:$0x9080] =	vst v63  }
0x29: {  	_ =	swait.ge [sflag:s12], $0x4000  }
0x2a: {  	[sflag:s12] =	ssyncset.done $0x0  }
0x2b: {  	s19 =	simm.s32 $0x200;
	s20 =	simm.s32 $0x0;
	[sflag:s12] =	ssyncadd.s32 $0xFFFFC000  }
.LBB2_4:
0x2c: {  	p0 =	sne.s32 s19, $0xFE00;
	[tilespmem:s20+$0x2880] =	vst v1;
	s20 =	smov.u32 s19;
	s19 =	sadd.s32 $0x200, s19  }
.Ltmp1:
0x2d: {  	(pc) =	sbr.rel @p0 .LBB2_4-.Ltmp1, $2  }
0x2e: {  	_ =	sdelay $0x2  }
0x2f: {  	s20 =	sshra.s32 s20, $0x2  }
0x30: {  	[tilespmem:s20+$0x2880] =	vst v1  }
0x31: {  	s19 =	simm.s32 $0x0;
	[bflag:$0x0] =	sbarrier.arrive $0xFFFF  }
0x32: {  	v2 =	vld [tilespmem:s19+$0x0];
	_ =	sdelay $0x4  }
0x33: {  	v2 =	vshrl.u32 v2, $0x10  }
0x34: {  	[tilespmem:$0x2800] =	vst v2  }
0x35: {  	v2 =	vld [tilespmem:s19+$0x10];
	_ =	sdelay $0x4  }
0x36: {  	v2 =	vshrl.u32 v2, $0x10  }
0x37: {  	[tilespmem:$0x2810] =	vst v2  }
0x38: {  	v2 =	vld [tilespmem:s19+$0x20];
	_ =	sdelay $0x4  }
0x39: {  	v2 =	vshrl.u32 v2, $0x10  }
0x3a: {  	[tilespmem:$0x2820] =	vst v2  }
0x3b: {  	v2 =	vld [tilespmem:s19+$0x30];
	_ =	sdelay $0x4  }
0x3c: {  	v2 =	vshrl.u32 v2, $0x10  }
0x3d: {  	[tilespmem:$0x2830] =	vst v2  }
0x3e: {  	v2 =	vld [tilespmem:s19+$0x40];
	_ =	sdelay $0x4  }
0x3f: {  	v2 =	vshrl.u32 v2, $0x10  }
0x40: {  	[tilespmem:$0x2840] =	vst v2  }
0x41: {  	v2 =	vld [tilespmem:s19+$0x50];
	_ =	sdelay $0x4  }
0x42: {  	v2 =	vshrl.u32 v2, $0x10  }
0x43: {  	[tilespmem:$0x2850] =	vst v2  }
0x44: {  	v2 =	vld [tilespmem:s19+$0x60];
	_ =	sdelay $0x4  }
0x45: {  	v2 =	vshrl.u32 v2, $0x10  }
0x46: {  	[tilespmem:$0x2860] =	vst v2  }
0x47: {  	v2 =	vld [tilespmem:s19+$0x70];
	_ =	sdelay $0x4  }
0x48: {  	v2 =	vshrl.u32 v2, $0x10  }
0x49: {  	[tilespmem:$0x2870] =	vst v2  }
0x4a: {  	[spmem:s2] =	stream.indirect.scatter.add.f32 [tilespmem:s13], [sflag:$0x1], $0x10, s15, s14, $0xb8;
	[tilespmem:$0x9080] =	vst v63  }
0x4b: {  	_ =	swait.ge [sflag:s12], $0x800  }
0x4c: {  	s22 =	simm.s32 $0x400;
	s19 =	simm.s32 $0x200;
	[sflag:s12] =	ssyncset.done $0x0  }
.LBB2_6:
0x4d: {  	s21 =	sshra.s32 s19, $0x2  }
0x4e: {  	[sflag:s12] =	ssyncadd.s32 $0xFFFFF800;
	s19 =	smov.u32 s22;
	s20 =	sadd.s32 $0x200, s22  }
0x4f: {  	p0 =	sne.s32 s22, $0x9E00;
	v2 =	vld [tilespmem:s21+$0x0];
	_ =	sdelay $0x4  }
0x50: {  	v2 =	vshrl.u32 v2, $0x10  }
0x51: {  	[tilespmem:$0x2800] =	vst v2  }
0x52: {  	v2 =	vld [tilespmem:s21+$0x10];
	_ =	sdelay $0x4  }
0x53: {  	v2 =	vshrl.u32 v2, $0x10  }
0x54: {  	[tilespmem:$0x2810] =	vst v2  }
0x55: {  	v2 =	vld [tilespmem:s21+$0x20];
	_ =	sdelay $0x4  }
0x56: {  	v2 =	vshrl.u32 v2, $0x10  }
0x57: {  	[tilespmem:$0x2820] =	vst v2  }
0x58: {  	v2 =	vld [tilespmem:s21+$0x30];
	_ =	sdelay $0x4  }
0x59: {  	v2 =	vshrl.u32 v2, $0x10  }
0x5a: {  	[tilespmem:$0x2830] =	vst v2  }
0x5b: {  	v2 =	vld [tilespmem:s21+$0x40];
	_ =	sdelay $0x4  }
0x5c: {  	v2 =	vshrl.u32 v2, $0x10  }
0x5d: {  	[tilespmem:$0x2840] =	vst v2  }
0x5e: {  	v2 =	vld [tilespmem:s21+$0x50];
	_ =	sdelay $0x4  }
0x5f: {  	v2 =	vshrl.u32 v2, $0x10  }
0x60: {  	[tilespmem:$0x2850] =	vst v2  }
0x61: {  	v2 =	vld [tilespmem:s21+$0x60];
	_ =	sdelay $0x4  }
0x62: {  	v2 =	vshrl.u32 v2, $0x10  }
0x63: {  	[tilespmem:$0x2860] =	vst v2  }
0x64: {  	v2 =	vld [tilespmem:s21+$0x70];
	_ =	sdelay $0x4  }
.Ltmp2:
0x65: {  	v2 =	vshrl.u32 v2, $0x10;
	(pc) =	sbr.rel @p0 .LBB2_6-.Ltmp2, $4  }
0x66: {  	[tilespmem:$0x2870] =	vst v2  }
0x67: {  	[spmem:s2] =	stream.indirect.scatter.add.f32 [tilespmem:s13], [sflag:$0x1], $0x10, s15, s14, $0xb8;
	[tilespmem:$0x9080] =	vst v63  }
0x68: {  	_ =	swait.ge [sflag:s12], $0x800  }
0x69: {  	s22 =	smov.u32 s20;
	[sflag:s12] =	ssyncset.done $0x0  }
0x6a: {  	s19 =	sshra.s32 s19, $0x2;
	[sflag:s12] =	ssyncadd.s32 $0xFFFFF800  }
0x6b: {  	v2 =	vld [tilespmem:s19+$0x0];
	_ =	sdelay $0x4  }
0x6c: {  	v2 =	vshrl.u32 v2, $0x10  }
0x6d: {  	[tilespmem:$0x2800] =	vst v2  }
0x6e: {  	v2 =	vld [tilespmem:s19+$0x10];
	_ =	sdelay $0x4  }
0x6f: {  	v2 =	vshrl.u32 v2, $0x10  }
0x70: {  	[tilespmem:$0x2810] =	vst v2  }
0x71: {  	v2 =	vld [tilespmem:s19+$0x20];
	_ =	sdelay $0x4  }
0x72: {  	v2 =	vshrl.u32 v2, $0x10  }
0x73: {  	[tilespmem:$0x2820] =	vst v2  }
0x74: {  	v2 =	vld [tilespmem:s19+$0x30];
	_ =	sdelay $0x4  }
0x75: {  	v2 =	vshrl.u32 v2, $0x10  }
0x76: {  	[tilespmem:$0x2830] =	vst v2  }
0x77: {  	v2 =	vld [tilespmem:s19+$0x40];
	_ =	sdelay $0x4  }
0x78: {  	v2 =	vshrl.u32 v2, $0x10  }
0x79: {  	[tilespmem:$0x2840] =	vst v2  }
0x7a: {  	v2 =	vld [tilespmem:s19+$0x50];
	_ =	sdelay $0x4  }
0x7b: {  	v2 =	vshrl.u32 v2, $0x10  }
0x7c: {  	[tilespmem:$0x2850] =	vst v2  }
0x7d: {  	v2 =	vld [tilespmem:s19+$0x60];
	_ =	sdelay $0x4  }
0x7e: {  	v2 =	vshrl.u32 v2, $0x10  }
0x7f: {  	[tilespmem:$0x2860] =	vst v2  }
0x80: {  	v2 =	vld [tilespmem:s19+$0x70];
	_ =	sdelay $0x4  }
0x81: {  	v2 =	vshrl.u32 v2, $0x10  }
0x82: {  	[tilespmem:$0x2870] =	vst v2  }
0x83: {  	[spmem:s2] =	stream.indirect.scatter.add.f32 [tilespmem:s13], [sflag:$0x1], $0x10, s15, s14, $0xb8;
	[tilespmem:$0x9080] =	vst v63  }
0x84: {  	_ =	swait.ge [sflag:s12], $0x800  }
0x85: {  	s18 =	sadd.s32 $0x1, s18;
	[sflag:s12] =	ssyncset.done $0x0  }
0x86: {  	p0 =	sne.s32 s18, s7;
	[sflag:s12] =	ssyncadd.s32 $0xFFFFF800  }
.Ltmp3:
0x87: {  	[bflag:$0x0] =	sbarrier.arrive $0xFFFF;
	(pc) =	sbr.rel @p0 .LBB2_1-.Ltmp3, $4  }
0x88: {  	[hbm:s6], [sflag:s16] =	dma.local [spmem:s17], $0x2800  }
0x89: {  	_ =	swait.ge [sflag:s12], $0x2800  }
0x8a: {  	[sflag:s12] =	ssyncset.done $0x0  }
0x8b: {  	[sflag:s12] =	ssyncadd.s32 $0xFFFFD800  }
0x8c: {  	_ =	sfence.sel $0x180000  }
0x8d: {  	[bflag:$0x0] =	sbarrier.arrive $0xFFFF  }
0x8e: {  	p0 =	sne.s32 s1, $0x0;
	_ =	strace $0x90000047  }
0x8f: {  	s0 =	sadd.s32 @!p0 $0x100000, s0;
	[bflag:$0x2] =	sbarrier.arrive $0xFFFF  }
0x90: {  	[sflag:s0] =	ssyncadd.tile.s32 @!p0 $0x1;
	_ =	shalt  }
.Lfunc_end2:
_tile_overlayer_lowered:
.L_overlay_start_2:
0x91: {  	(tag) =	ssettag $0x2  }
0x92: {  	s0 =	rddreg [dreg:$0x0];
	s2 =	stileid.u32  }
0x93: {  	s1 =	rddreg [dreg:$0x1];
	p0 =	sne.s32 s2, $0x0  }
0x94: {  	s3 =	rddreg [dreg:$0x2];
	[bflag:$0x3] =	sbarrier.arrive $0xFFFF;
	s2 =	simm.s32 @!p0 $0x1C01  }
0x95: {  	[timem:s3], [sflag:s2] =	dma.local @!p0 [hbm:s0], s1  }
0x96: {  	s0 =	simm.s32 @!p0 $0x1  }
0x97: {  	_ =	swait.ge @!p0 [sflag:s0], s1  }
0x98: {  	s1 =	ssub.s32 @!p0 $0x0, s1;
	[sflag:s0] =	ssyncset.done @!p0 $0x0  }
0x99: {  	[sflag:s0] =	ssyncadd.s32 @!p0 s1  }
0x9a: {  	[bflag:$0x3] =	sbarrier.arrive $0xFFFF  }
0x9b: {  	_ =	shalt  }

</sc_bundles>
